<compile_context>
chip_gen: v7x
topology: tpu7x:2x2x1
jax: 0.10.2.dev20260603
libtpu: 0.0.44.dev20260713+nightly
codegen_flags: <defaults>
</compile_context>

<pallas_src>
import functools

import jax
import jax.numpy as jnp
from jax import lax
from jax.experimental import pallas as pl
from jax.experimental.pallas import tpu as pltpu
from jax.experimental.pallas import tpu_sc as plsc

NC = 2
NS = 16
NW = NC * NS
CHUNK = 125
RBLK = 80


def _sc_segment_sum(x, edges3d):
    n, f = x.shape
    _, chunks_total, chunk = edges3d.shape
    chunks_w = chunks_total // NW
    nblk = n // RBLK
    blk_iters = (nblk + NS - 1) // NS
    phases = 2
    chunks_ph = chunks_w // phases
    mesh = plsc.VectorSubcoreMesh(core_axis_name="c", subcore_axis_name="s")

    @functools.partial(
        pl.kernel,
        out_type=jax.ShapeDtypeStruct((NC, n, f), jnp.float32),
        mesh=mesh,
        scratch_types=[
            pltpu.VMEM((chunks_ph, chunk), jnp.int32),
            pltpu.VMEM((chunks_ph, chunk), jnp.int32),
            pltpu.VMEM((chunk, f), jnp.float32),
            pltpu.VMEM((chunk, f), jnp.float32),
            pltpu.VMEM_SHARED((n, f), jnp.float32),
            pltpu.SemaphoreType.DMA,
            pltpu.SemaphoreType.DMA,
            pltpu.SemaphoreType.DMA,
        ],
    )
    def seg_sum(x_hbm, e_hbm, out_hbm, src_v, dst_v, rows0, rows1,
                acc, sem0, sem1, zsem):
        c = lax.axis_index("c")
        s = lax.axis_index("s")
        wid = c * NS + s

        zeros16 = jnp.zeros((16,), jnp.float32)

        def zero_body(i, carry):
            r = i // (f // 16)
            l = i - r * (f // 16)
            rows0[r, pl.ds(l * 16, 16)] = zeros16
            return carry

        lax.fori_loop(0, RBLK * (f // 16), zero_body, 0)

        def zero_acc_body(j, carry):
            blk = s + j * NS

            @pl.when(blk < nblk)
            def _():
                pltpu.async_copy(rows0.at[pl.ds(0, RBLK)],
                                 acc.at[pl.ds(blk * RBLK, RBLK)], zsem)

            return carry

        lax.fori_loop(0, blk_iters, zero_acc_body, 0)

        pltpu.sync_copy(e_hbm.at[0, pl.ds(wid * chunks_w, chunks_ph)], src_v)
        pltpu.sync_copy(e_hbm.at[1, pl.ds(wid * chunks_w, chunks_ph)], dst_v)
        pltpu.async_copy(x_hbm.at[src_v.at[0]], rows1, sem1)

        def zero_drain_body(j, carry):
            blk = s + j * NS

            @pl.when(blk < nblk)
            def _():
                pltpu.make_async_copy(rows0.at[pl.ds(0, RBLK)],
                                      acc.at[pl.ds(blk * RBLK, RBLK)], zsem).wait()

            return carry

        lax.fori_loop(0, blk_iters, zero_drain_body, 0)

        plsc.subcore_barrier()

        n_pairs = chunks_ph // 2
        for phase in range(phases):
            if phase == 0:
                bufs = ((rows1, sem1), (rows0, sem0))
            else:
                bufs = ((rows0, sem0), (rows1, sem1))
                base = wid * chunks_w + phase * chunks_ph
                pltpu.sync_copy(e_hbm.at[0, pl.ds(base, chunks_ph)], src_v)
                pltpu.sync_copy(e_hbm.at[1, pl.ds(base, chunks_ph)], dst_v)
                pltpu.async_copy(x_hbm.at[src_v.at[0]], bufs[0][0], bufs[0][1])
            pltpu.async_copy(x_hbm.at[src_v.at[1]], bufs[1][0], bufs[1][1])

            def pair_body(i, carry, bufs=bufs):
                for b, (buf, sem) in enumerate(bufs):
                    j = 2 * i + b
                    pltpu.make_async_copy(x_hbm.at[src_v.at[j]], buf, sem).wait()
                    pltpu.sync_copy(buf, acc.at[dst_v.at[j]], add=True)

                    @pl.when(i < n_pairs - 1)
                    def _():
                        pltpu.async_copy(x_hbm.at[src_v.at[j + 2]], buf, sem)

                return carry

            lax.fori_loop(0, n_pairs, pair_body, 0)

        plsc.subcore_barrier()

        def readout_body(j, carry):
            blk = s + j * NS

            @pl.when(blk < nblk)
            def _():
                pltpu.async_copy(acc.at[pl.ds(blk * RBLK, RBLK)],
                                 out_hbm.at[c, pl.ds(blk * RBLK, RBLK)], sem0)

            return carry

        lax.fori_loop(0, blk_iters, readout_body, 0)

        def readout_drain_body(j, carry):
            blk = s + j * NS

            @pl.when(blk < nblk)
            def _():
                pltpu.make_async_copy(acc.at[pl.ds(blk * RBLK, RBLK)],
                                      out_hbm.at[c, pl.ds(blk * RBLK, RBLK)],
                                      sem0).wait()

            return carry

        lax.fori_loop(0, blk_iters, readout_drain_body, 0)

    return seg_sum(x, edges3d)


def _tc_body(p_ref, wgc_ref, bgc_ref, wlow_ref, blow_ref, h_ref, lg_ref):
    p = p_ref[...]
    agg = p[0] + p[1]
    h = jnp.dot(agg, wgc_ref[...], preferred_element_type=jnp.float32) + bgc_ref[...]
    h_ref[...] = h
    t = jnp.dot(h, wlow_ref[...], preferred_element_type=jnp.float32) + blow_ref[...]
    nrm = jnp.sqrt(jnp.sum(t * t, axis=1, keepdims=True))
    lg_ref[...] = t / jnp.maximum(nrm, 1e-12)


def kernel(x, edge_index, W_gc, b_gc, W_low, b_low):
    n, nfeat = x.shape
    out = W_gc.shape[1]
    clus = W_low.shape[1]
    e = edge_index.shape[1]

    edges3d = edge_index.reshape(2, e // CHUNK, CHUNK)

    partials = _sc_segment_sum(x, edges3d)

    bn = 5000
    grid = n // bn
    h, logits = pl.pallas_call(
        _tc_body,
        grid=(grid,),
        in_specs=[
            pl.BlockSpec((NC, bn, nfeat), lambda i: (0, i, 0)),
            pl.BlockSpec((nfeat, out), lambda i: (0, 0)),
            pl.BlockSpec((1, out), lambda i: (0, 0)),
            pl.BlockSpec((out, clus), lambda i: (0, 0)),
            pl.BlockSpec((1, clus), lambda i: (0, 0)),
        ],
        out_specs=[
            pl.BlockSpec((bn, out), lambda i: (i, 0)),
            pl.BlockSpec((bn, clus), lambda i: (i, 0)),
        ],
        out_shape=[
            jax.ShapeDtypeStruct((n, out), jnp.float32),
            jax.ShapeDtypeStruct((n, clus), jnp.float32),
        ],
    )(partials, W_gc, b_gc.reshape(1, out), W_low, b_low.reshape(1, clus))
    return (h, logits)

# --- scband reference (transcript-rebuilt; emitter-appended) ---
"""Pipeline reference for scband-gcn-72507637891474 (READ-ONLY COPY).

The authoritative reference and input builder live on the scoring server;
editing this copy changes nothing except your own understanding.
"""

import jax, jax.numpy as jnp
import numpy as np

N = 10000
E = 320000
NFEAT = 128
OUT = 128
CLUSTER = 16


def setup_inputs(seed: int = 0) -> dict:
    key = jax.random.key(seed)
    k1, k2, k3, k4, k5, k6 = jax.random.split(key, 6)
    x = jax.random.normal(k1, (N, NFEAT), dtype=jnp.float32)
    edge_index = jax.random.randint(k2, (2, E), 0, N, dtype=jnp.int32)
    # GraphConvolution gc: nfeat -> out (weight + bias)
    W_gc = jax.random.normal(k3, (NFEAT, OUT), dtype=jnp.float32) * (1.0 / np.sqrt(NFEAT))
    b_gc = jax.random.normal(k4, (OUT,), dtype=jnp.float32) * 0.01
    # low: Linear(out, cluster_num)
    W_low = jax.random.normal(k5, (OUT, CLUSTER), dtype=jnp.float32) * (1.0 / np.sqrt(OUT))
    b_low = jax.random.normal(k6, (CLUSTER,), dtype=jnp.float32) * 0.01
    return {"x": x, "edge_index": edge_index, "W_gc": W_gc, "b_gc": b_gc, "W_low": W_low, "b_low": b_low}


def reference(x, edge_index, W_gc, b_gc, W_low, b_low):
    # GraphConvolution: support = x @ W; out = spmm(adj, support) + b
    # adj represented as COO edge_index: adj @ support == scatter-add of support[src] into dst rows
    support = x @ W_gc
    src = edge_index[0]
    dst = edge_index[1]
    msgs = jnp.take(support, src, axis=0)
    agg = jax.ops.segment_sum(msgs, dst, num_segments=N)
    h = agg + b_gc
    # logits = self.low(h)
    logits = h @ W_low + b_low
    # F.normalize(logits, dim=1, p=2)
    norm = jnp.maximum(jnp.linalg.norm(logits, axis=1, keepdims=True), 1e-12)
    logits = logits / norm
    return (h, logits)

if __name__ == "__main__":
    import jax
    _d = setup_inputs()
    print(jax.jit(kernel)(*tuple(_d.values())))

</pallas_src>

<mosaic_0001>
#map = affine_map<(d0, d1) -> (0, 0)>
#map1 = affine_map<(d0, d1) -> (0, 0, 0)>
module attributes {stable_mosaic.version = 14 : i64} {
  func.func @seg_sum(%arg0: i32, %arg1: i32, %arg2: memref<10000x128xf32, #tpu.memory_space<hbm>>, %arg3: memref<2x2560x125xi32, #tpu.memory_space<hbm>>, %arg4: memref<2x10000x128xf32, #tpu.memory_space<hbm>>, %arg5: memref<40x125xi32, #tpu.memory_space<vmem>>, %arg6: memref<40x125xi32, #tpu.memory_space<vmem>>, %arg7: memref<125x128xf32, #tpu.memory_space<vmem>>, %arg8: memref<125x128xf32, #tpu.memory_space<vmem>>, %arg9: memref<10000x128xf32, #tpu.memory_space<vmem_shared>>, %arg10: memref<!tpu.dma_semaphore, #tpu.memory_space<semaphore_mem>>, %arg11: memref<!tpu.dma_semaphore, #tpu.memory_space<semaphore_mem>>, %arg12: memref<!tpu.dma_semaphore, #tpu.memory_space<semaphore_mem>>) attributes {dimension_semantics = [#tpu.dimension_semantics<core_parallel>, #tpu.dimension_semantics<subcore_parallel>], iteration_bounds = array<i64: 2, 16>, scalar_prefetch = 0 : i64, scratch_operands = 8 : i64, tpu.core_type = #tpu.core_type<sc_vector_subcore>, window_params = [{transform_indices = #map}, {transform_indices = #map1}, {transform_indices = #map1}]} {
    %mul3A = arith.constant 16 : i32
    %mul3A_0 = arith.muli %arg0, %mul3A : i32
    %add3A = arith.addi %mul3A_0, %arg1 : i32
    %broadcast_in_dim3A = arith.constant 0.000000e+00 : f32
    %broadcast_in_dim3A_1 = vector.broadcast %broadcast_in_dim3A : f32 to vector<16xf32>
    %scan3A = arith.constant 0 : i32
    %scan3A_2 = arith.constant 0 : i32
    %scan3A_3 = arith.constant 640 : i32
    %scan3A_4 = arith.addi %scan3A_2, %scan3A_3 : i32
    %scan3A_5 = arith.constant 1 : i32
    scf.for %scan3A_82 = %scan3A_2 to %scan3A_4 step %scan3A_5  : i32 {
      %jit3A = arith.constant 8 : i32
      %div3A = arith.divsi %scan3A_82, %jit3A : i32
      %sign3A = arith.constant 0 : i32
      %sign3A_83 = arith.cmpi sgt, %scan3A_82, %sign3A : i32
      %sign3A_84 = arith.extui %sign3A_83 : i1 to i32
      %sign3A_85 = arith.constant 0 : i32
      %sign3A_86 = arith.cmpi slt, %scan3A_82, %sign3A_85 : i32
      %sign3A_87 = arith.extui %sign3A_86 : i1 to i32
      %sign3A_88 = arith.subi %sign3A_84, %sign3A_87 : i32
      %sign3A_89 = arith.constant 0 : i32
      %sign3A_90 = arith.cmpi sgt, %jit3A, %sign3A_89 : i32
      %sign3A_91 = arith.extui %sign3A_90 : i1 to i32
      %sign3A_92 = arith.constant 0 : i32
      %sign3A_93 = arith.cmpi slt, %jit3A, %sign3A_92 : i32
      %sign3A_94 = arith.extui %sign3A_93 : i1 to i32
      %sign3A_95 = arith.subi %sign3A_91, %sign3A_94 : i32
      %ne3A = arith.cmpi ne, %sign3A_88, %sign3A_95 : i32
      %rem3A = arith.remsi %scan3A_82, %jit3A : i32
      %ne3A_96 = arith.constant 0 : i32
      %ne3A_97 = arith.cmpi ne, %rem3A, %ne3A_96 : i32
      %and3A = arith.andi %ne3A, %ne3A_97 : i1
      %sub3A = arith.constant 1 : i32
      %sub3A_98 = arith.subi %div3A, %sub3A : i32
      %select_n3A = arith.select %and3A, %sub3A_98, %div3A : i32
      %mul3A_99 = arith.constant 8 : i32
      %mul3A_100 = arith.muli %select_n3A, %mul3A_99 : i32
      %sub3A_101 = arith.subi %scan3A_82, %mul3A_100 : i32
      %mul3A_102 = arith.constant 16 : i32
      %mul3A_103 = arith.muli %sub3A_101, %mul3A_102 : i32
      %swap3A = arith.index_cast %select_n3A : i32 to index
      %swap3A_104 = arith.index_cast %mul3A_103 : i32 to index
      %swap3A_105 = tpu.vector_load %arg7[%swap3A, %swap3A_104] {strides = array<i32>} : memref<125x128xf32, #tpu.memory_space<vmem>>, vector<1x16xf32>,
      %swap3A_106 = vector.shape_cast %swap3A_105 : vector<1x16xf32> to vector<16xf32>
      %swap3A_107 = vector.shape_cast %broadcast_in_dim3A_1 : vector<16xf32> to vector<1x16xf32>
      tpu.vector_store %arg7[%swap3A, %swap3A_104], %swap3A_107 {strides = array<i32>} : memref<125x128xf32, #tpu.memory_space<vmem>>, vector<1x16xf32>,
    }
    %scan3A_6 = arith.constant 640 : i32
    %scan3A_7 = arith.constant 0 : i32
    %scan3A_8 = arith.constant 0 : i32
    %scan3A_9 = arith.constant 8 : i32
    %scan3A_10 = arith.addi %scan3A_8, %scan3A_9 : i32
    %scan3A_11 = arith.constant 1 : i32
    scf.for %scan3A_82 = %scan3A_8 to %scan3A_10 step %scan3A_11  : i32 {
      %mul3A_83 = arith.constant 16 : i32
      %mul3A_84 = arith.muli %scan3A_82, %mul3A_83 : i32
      %add3A_85 = arith.addi %arg1, %mul3A_84 : i32
      %lt3A = arith.constant 125 : i32
      %lt3A_86 = arith.cmpi slt, %add3A_85, %lt3A : i32
      %convert_element_type3A = arith.extui %lt3A_86 : i1 to i32
      %cond3A = arith.constant 0 : i32
      %cond3A_87 = arith.cmpi ne, %convert_element_type3A, %cond3A : i32
      scf.if %cond3A_87 {
        %mul3A_88 = arith.constant 80 : i32
        %mul3A_89 = arith.muli %add3A_85, %mul3A_88 : i32
        %dma_start3A_90 = arith.constant 0 : i32
        %dma_start3A_91 = arith.constant 0 : i32
        %dma_start3A_92 = tpu.memref_slice %arg7[%dma_start3A_90, %dma_start3A_91] : memref<125x128xf32, #tpu.memory_space<vmem>> -> memref<80x128xf32, #tpu.memory_space<vmem>>
        %dma_start3A_93 = arith.constant 0 : i32
        %dma_start3A_94 = tpu.memref_slice %arg9[%mul3A_89, %dma_start3A_93] : memref<10000x128xf32, #tpu.memory_space<vmem_shared>> -> memref<80x128xf32, #tpu.memory_space<vmem_shared>>
        %dma_start3A_95 = arith.constant 0 : i32
        %dma_start3A_96 = tpu.memref_slice %arg9[%mul3A_89, %dma_start3A_95] : memref<10000x128xf32, #tpu.memory_space<vmem_shared>> -> memref<80x128xf32, #tpu.memory_space<vmem_shared>>
        %dma_start3A_97 = arith.constant 0 : i32
        %dma_start3A_98 = arith.constant 0 : i32
        %dma_start3A_99 = tpu.memref_slice %arg7[%dma_start3A_97, %dma_start3A_98] : memref<125x128xf32, #tpu.memory_space<vmem>> -> memref<80x128xf32, #tpu.memory_space<vmem>>
        tpu.enqueue_dma source(%dma_start3A_99 : memref<80x128xf32, #tpu.memory_space<vmem>>) target(%dma_start3A_96 : memref<80x128xf32, #tpu.memory_space<vmem_shared>>) target_semaphore(%arg12 : memref<!tpu.dma_semaphore, #tpu.memory_space<semaphore_mem>>)
      } else {
      }
    }
    %scan3A_12 = arith.constant 8 : i32
    %mul3A_13 = arith.constant 80 : i32
    %mul3A_14 = arith.muli %add3A, %mul3A_13 : i32
    %run_scoped3A = arith.constant 0 : i32
    "tpu.region"() ({
      %run_scoped3A_82 = tpu.sem_alloc : memref<!tpu.dma_semaphore, #tpu.memory_space<semaphore_mem>>
      %dma_start3A_83 = arith.constant 0 : i32
      %dma_start3A_84 = tpu.memref_slice %arg3[%run_scoped3A, %mul3A_14, %dma_start3A_83] : memref<2x2560x125xi32, #tpu.memory_space<hbm>> -> memref<1x40x125xi32, #tpu.memory_space<hbm>>
      %dma_start3A_85 = tpu.memref_squeeze %dma_start3A_84 : memref<1x40x125xi32, #tpu.memory_space<hbm>> -> memref<40x125xi32, #tpu.memory_space<hbm>>
      %dma_start3A_86 = arith.constant 0 : i32
      %dma_start3A_87 = tpu.memref_slice %arg3[%run_scoped3A, %mul3A_14, %dma_start3A_86] : memref<2x2560x125xi32, #tpu.memory_space<hbm>> -> memref<1x40x125xi32, #tpu.memory_space<hbm>>
      %dma_start3A_88 = tpu.memref_squeeze %dma_start3A_87 : memref<1x40x125xi32, #tpu.memory_space<hbm>> -> memref<40x125xi32, #tpu.memory_space<hbm>>
      tpu.enqueue_dma source(%dma_start3A_88 : memref<40x125xi32, #tpu.memory_space<hbm>>) target(%arg5 : memref<40x125xi32, #tpu.memory_space<vmem>>) target_semaphore(%run_scoped3A_82 : memref<!tpu.dma_semaphore, #tpu.memory_space<semaphore_mem>>)
      %dma_wait3A = arith.constant 0 : i32
      %dma_wait3A_89 = tpu.memref_slice %arg3[%run_scoped3A, %mul3A_14, %dma_wait3A] : memref<2x2560x125xi32, #tpu.memory_space<hbm>> -> memref<1x40x125xi32, #tpu.memory_space<hbm>>
      %dma_wait3A_90 = tpu.memref_squeeze %dma_wait3A_89 : memref<1x40x125xi32, #tpu.memory_space<hbm>> -> memref<40x125xi32, #tpu.memory_space<hbm>>
      %dma_wait3A_91 = arith.constant 0 : i32
      %dma_wait3A_92 = tpu.memref_slice %arg3[%run_scoped3A, %mul3A_14, %dma_wait3A_91] : memref<2x2560x125xi32, #tpu.memory_space<hbm>> -> memref<1x40x125xi32, #tpu.memory_space<hbm>>
      %dma_wait3A_93 = tpu.memref_squeeze %dma_wait3A_92 : memref<1x40x125xi32, #tpu.memory_space<hbm>> -> memref<40x125xi32, #tpu.memory_space<hbm>>
      tpu.wait_dma2 semaphore(%run_scoped3A_82 : memref<!tpu.dma_semaphore, #tpu.memory_space<semaphore_mem>>) src(%dma_wait3A_93 : memref<40x125xi32, #tpu.memory_space<hbm>>) dst(%arg5 : memref<40x125xi32, #tpu.memory_space<vmem>>)
      tpu.yield
    }) : () -> ()
    %mul3A_15 = arith.constant 80 : i32
    %mul3A_16 = arith.muli %add3A, %mul3A_15 : i32
    %run_scoped3A_17 = arith.constant 1 : i32
    "tpu.region"() ({
      %run_scoped3A_82 = tpu.sem_alloc : memref<!tpu.dma_semaphore, #tpu.memory_space<semaphore_mem>>
      %dma_start3A_83 = arith.constant 0 : i32
      %dma_start3A_84 = tpu.memref_slice %arg3[%run_scoped3A_17, %mul3A_16, %dma_start3A_83] : memref<2x2560x125xi32, #tpu.memory_space<hbm>> -> memref<1x40x125xi32, #tpu.memory_space<hbm>>
      %dma_start3A_85 = tpu.memref_squeeze %dma_start3A_84 : memref<1x40x125xi32, #tpu.memory_space<hbm>> -> memref<40x125xi32, #tpu.memory_space<hbm>>
      %dma_start3A_86 = arith.constant 0 : i32
      %dma_start3A_87 = tpu.memref_slice %arg3[%run_scoped3A_17, %mul3A_16, %dma_start3A_86] : memref<2x2560x125xi32, #tpu.memory_space<hbm>> -> memref<1x40x125xi32, #tpu.memory_space<hbm>>
      %dma_start3A_88 = tpu.memref_squeeze %dma_start3A_87 : memref<1x40x125xi32, #tpu.memory_space<hbm>> -> memref<40x125xi32, #tpu.memory_space<hbm>>
      tpu.enqueue_dma source(%dma_start3A_88 : memref<40x125xi32, #tpu.memory_space<hbm>>) target(%arg6 : memref<40x125xi32, #tpu.memory_space<vmem>>) target_semaphore(%run_scoped3A_82 : memref<!tpu.dma_semaphore, #tpu.memory_space<semaphore_mem>>)
      %dma_wait3A = arith.constant 0 : i32
      %dma_wait3A_89 = tpu.memref_slice %arg3[%run_scoped3A_17, %mul3A_16, %dma_wait3A] : memref<2x2560x125xi32, #tpu.memory_space<hbm>> -> memref<1x40x125xi32, #tpu.memory_space<hbm>>
      %dma_wait3A_90 = tpu.memref_squeeze %dma_wait3A_89 : memref<1x40x125xi32, #tpu.memory_space<hbm>> -> memref<40x125xi32, #tpu.memory_space<hbm>>
      %dma_wait3A_91 = arith.constant 0 : i32
      %dma_wait3A_92 = tpu.memref_slice %arg3[%run_scoped3A_17, %mul3A_16, %dma_wait3A_91] : memref<2x2560x125xi32, #tpu.memory_space<hbm>> -> memref<1x40x125xi32, #tpu.memory_space<hbm>>
      %dma_wait3A_93 = tpu.memref_squeeze %dma_wait3A_92 : memref<1x40x125xi32, #tpu.memory_space<hbm>> -> memref<40x125xi32, #tpu.memory_space<hbm>>
      tpu.wait_dma2 semaphore(%run_scoped3A_82 : memref<!tpu.dma_semaphore, #tpu.memory_space<semaphore_mem>>) src(%dma_wait3A_93 : memref<40x125xi32, #tpu.memory_space<hbm>>) dst(%arg6 : memref<40x125xi32, #tpu.memory_space<vmem>>)
      tpu.yield
    }) : () -> ()
    %dma_start3A = arith.constant 0 : i32
    %dma_start3A_18 = arith.constant 0 : i32
    %dma_start3A_19 = tpu.memref_slice %arg5[%dma_start3A, %dma_start3A_18] : memref<40x125xi32, #tpu.memory_space<vmem>> -> memref<1x125xi32, #tpu.memory_space<vmem>>
    %dma_start3A_20 = tpu.memref_squeeze %dma_start3A_19 : memref<1x125xi32, #tpu.memory_space<vmem>> -> memref<125xi32, #tpu.memory_space<vmem>>
    %dma_start3A_21 = arith.constant 0 : i32
    %dma_start3A_22 = arith.constant 0 : i32
    %dma_start3A_23 = tpu.memref_slice %arg2[%dma_start3A_21, %dma_start3A_22] : memref<10000x128xf32, #tpu.memory_space<hbm>> -> memref<10000x128xf32, #tpu.memory_space<hbm>>
    tpu.enqueue_indirect_dma source(%dma_start3A_23 : memref<10000x128xf32, #tpu.memory_space<hbm>>) target(%arg8 : memref<125x128xf32, #tpu.memory_space<vmem>>) offsets(%dma_start3A_20 : memref<125xi32, #tpu.memory_space<vmem>>) semaphore(%arg11 : memref<!tpu.dma_semaphore, #tpu.memory_space<semaphore_mem>>)
    %scan3A_24 = arith.constant 0 : i32
    %scan3A_25 = arith.constant 0 : i32
    %scan3A_26 = arith.constant 8 : i32
    %scan3A_27 = arith.addi %scan3A_25, %scan3A_26 : i32
    %scan3A_28 = arith.constant 1 : i32
    scf.for %scan3A_82 = %scan3A_25 to %scan3A_27 step %scan3A_28  : i32 {
      %mul3A_83 = arith.constant 16 : i32
      %mul3A_84 = arith.muli %scan3A_82, %mul3A_83 : i32
      %add3A_85 = arith.addi %arg1, %mul3A_84 : i32
      %lt3A = arith.constant 125 : i32
      %lt3A_86 = arith.cmpi slt, %add3A_85, %lt3A : i32
      %convert_element_type3A = arith.extui %lt3A_86 : i1 to i32
      %cond3A = arith.constant 0 : i32
      %cond3A_87 = arith.cmpi ne, %convert_element_type3A, %cond3A : i32
      scf.if %cond3A_87 {
        %mul3A_88 = arith.constant 80 : i32
        %mul3A_89 = arith.muli %add3A_85, %mul3A_88 : i32
        %dma_wait3A = arith.constant 0 : i32
        %dma_wait3A_90 = arith.constant 0 : i32
        %dma_wait3A_91 = tpu.memref_slice %arg7[%dma_wait3A, %dma_wait3A_90] : memref<125x128xf32, #tpu.memory_space<vmem>> -> memref<80x128xf32, #tpu.memory_space<vmem>>
        %dma_wait3A_92 = arith.constant 0 : i32
        %dma_wait3A_93 = tpu.memref_slice %arg9[%mul3A_89, %dma_wait3A_92] : memref<10000x128xf32, #tpu.memory_space<vmem_shared>> -> memref<80x128xf32, #tpu.memory_space<vmem_shared>>
        %dma_wait3A_94 = arith.constant 0 : i32
        %dma_wait3A_95 = tpu.memref_slice %arg9[%mul3A_89, %dma_wait3A_94] : memref<10000x128xf32, #tpu.memory_space<vmem_shared>> -> memref<80x128xf32, #tpu.memory_space<vmem_shared>>
        %dma_wait3A_96 = arith.constant 0 : i32
        %dma_wait3A_97 = arith.constant 0 : i32
        %dma_wait3A_98 = tpu.memref_slice %arg7[%dma_wait3A_96, %dma_wait3A_97] : memref<125x128xf32, #tpu.memory_space<vmem>> -> memref<80x128xf32, #tpu.memory_space<vmem>>
        tpu.wait_dma2 semaphore(%arg12 : memref<!tpu.dma_semaphore, #tpu.memory_space<semaphore_mem>>) src(%dma_wait3A_98 : memref<80x128xf32, #tpu.memory_space<vmem>>) dst(%dma_wait3A_95 : memref<80x128xf32, #tpu.memory_space<vmem_shared>>)
      } else {
      }
    }
    %scan3A_29 = arith.constant 8 : i32
    %barrier3A = arith.constant 0 : index
    tpu.barrier barrier_id(%barrier3A)
    %dma_start3A_30 = arith.constant 1 : i32
    %dma_start3A_31 = arith.constant 0 : i32
    %dma_start3A_32 = tpu.memref_slice %arg5[%dma_start3A_30, %dma_start3A_31] : memref<40x125xi32, #tpu.memory_space<vmem>> -> memref<1x125xi32, #tpu.memory_space<vmem>>
    %dma_start3A_33 = tpu.memref_squeeze %dma_start3A_32 : memref<1x125xi32, #tpu.memory_space<vmem>> -> memref<125xi32, #tpu.memory_space<vmem>>
    %dma_start3A_34 = arith.constant 0 : i32
    %dma_start3A_35 = arith.constant 0 : i32
    %dma_start3A_36 = tpu.memref_slice %arg2[%dma_start3A_34, %dma_start3A_35] : memref<10000x128xf32, #tpu.memory_space<hbm>> -> memref<10000x128xf32, #tpu.memory_space<hbm>>
    tpu.enqueue_indirect_dma source(%dma_start3A_36 : memref<10000x128xf32, #tpu.memory_space<hbm>>) target(%arg7 : memref<125x128xf32, #tpu.memory_space<vmem>>) offsets(%dma_start3A_33 : memref<125xi32, #tpu.memory_space<vmem>>) semaphore(%arg10 : memref<!tpu.dma_semaphore, #tpu.memory_space<semaphore_mem>>)
    %scan3A_37 = arith.constant 0 : i32
    %scan3A_38 = arith.constant 0 : i32
    %scan3A_39 = arith.constant 20 : i32
    %scan3A_40 = arith.addi %scan3A_38, %scan3A_39 : i32
    %scan3A_41 = arith.constant 1 : i32
    scf.for %scan3A_82 = %scan3A_38 to %scan3A_40 step %scan3A_41  : i32 {
      %mul3A_83 = arith.constant 2 : i32
      %mul3A_84 = arith.muli %mul3A_83, %scan3A_82 : i32
      %add3A_85 = arith.constant 0 : i32
      %add3A_86 = arith.addi %mul3A_84, %add3A_85 : i32
      %dma_wait3A = arith.constant 0 : i32
      %dma_wait3A_87 = tpu.memref_slice %arg5[%add3A_86, %dma_wait3A] : memref<40x125xi32, #tpu.memory_space<vmem>> -> memref<1x125xi32, #tpu.memory_space<vmem>>
      %dma_wait3A_88 = tpu.memref_squeeze %dma_wait3A_87 : memref<1x125xi32, #tpu.memory_space<vmem>> -> memref<125xi32, #tpu.memory_space<vmem>>
      %dma_wait3A_89 = arith.constant 0 : i32
      %dma_wait3A_90 = arith.constant 0 : i32
      %dma_wait3A_91 = tpu.memref_slice %arg2[%dma_wait3A_89, %dma_wait3A_90] : memref<10000x128xf32, #tpu.memory_space<hbm>> -> memref<10000x128xf32, #tpu.memory_space<hbm>>
      tpu.wait_indirect_dma semaphore(%arg11 : memref<!tpu.dma_semaphore, #tpu.memory_space<semaphore_mem>>) src(%dma_wait3A_91 : memref<10000x128xf32, #tpu.memory_space<hbm>>) dst(%arg8 : memref<125x128xf32, #tpu.memory_space<vmem>>)
      "tpu.region"() ({
        %run_scoped3A_109 = tpu.sem_alloc : memref<!tpu.dma_semaphore, #tpu.memory_space<semaphore_mem>>
        %dma_start3A_110 = arith.constant 0 : i32
        %dma_start3A_111 = tpu.memref_slice %arg6[%add3A_86, %dma_start3A_110] : memref<40x125xi32, #tpu.memory_space<vmem>> -> memref<1x125xi32, #tpu.memory_space<vmem>>
        %dma_start3A_112 = tpu.memref_squeeze %dma_start3A_111 : memref<1x125xi32, #tpu.memory_space<vmem>> -> memref<125xi32, #tpu.memory_space<vmem>>
        %dma_start3A_113 = arith.constant 0 : i32
        %dma_start3A_114 = arith.constant 0 : i32
        %dma_start3A_115 = tpu.memref_slice %arg9[%dma_start3A_113, %dma_start3A_114] : memref<10000x128xf32, #tpu.memory_space<vmem_shared>> -> memref<10000x128xf32, #tpu.memory_space<vmem_shared>>
        tpu.enqueue_indirect_dma source(%arg8 : memref<125x128xf32, #tpu.memory_space<vmem>>) target(%dma_start3A_115 : memref<10000x128xf32, #tpu.memory_space<vmem_shared>>) offsets(%dma_start3A_112 : memref<125xi32, #tpu.memory_space<vmem>>) semaphore(%run_scoped3A_109 : memref<!tpu.dma_semaphore, #tpu.memory_space<semaphore_mem>>) {add = true}
        %dma_wait3A_116 = arith.constant 0 : i32
        %dma_wait3A_117 = tpu.memref_slice %arg6[%add3A_86, %dma_wait3A_116] : memref<40x125xi32, #tpu.memory_space<vmem>> -> memref<1x125xi32, #tpu.memory_space<vmem>>
        %dma_wait3A_118 = tpu.memref_squeeze %dma_wait3A_117 : memref<1x125xi32, #tpu.memory_space<vmem>> -> memref<125xi32, #tpu.memory_space<vmem>>
        %dma_wait3A_119 = arith.constant 0 : i32
        %dma_wait3A_120 = arith.constant 0 : i32
        %dma_wait3A_121 = tpu.memref_slice %arg9[%dma_wait3A_119, %dma_wait3A_120] : memref<10000x128xf32, #tpu.memory_space<vmem_shared>> -> memref<10000x128xf32, #tpu.memory_space<vmem_shared>>
        tpu.wait_indirect_dma semaphore(%run_scoped3A_109 : memref<!tpu.dma_semaphore, #tpu.memory_space<semaphore_mem>>) src(%arg8 : memref<125x128xf32, #tpu.memory_space<vmem>>) dst(%dma_wait3A_121 : memref<10000x128xf32, #tpu.memory_space<vmem_shared>>)
        tpu.yield
      }) : () -> ()
      %lt3A = arith.constant 19 : i32
      %lt3A_92 = arith.cmpi slt, %scan3A_82, %lt3A : i32
      %convert_element_type3A = arith.extui %lt3A_92 : i1 to i32
      %cond3A = arith.constant 0 : i32
      %cond3A_93 = arith.cmpi ne, %convert_element_type3A, %cond3A : i32
      scf.if %cond3A_93 {
        %add3A_109 = arith.constant 2 : i32
        %add3A_110 = arith.addi %add3A_86, %add3A_109 : i32
        %dma_start3A_111 = arith.constant 0 : i32
        %dma_start3A_112 = tpu.memref_slice %arg5[%add3A_110, %dma_start3A_111] : memref<40x125xi32, #tpu.memory_space<vmem>> -> memref<1x125xi32, #tpu.memory_space<vmem>>
        %dma_start3A_113 = tpu.memref_squeeze %dma_start3A_112 : memref<1x125xi32, #tpu.memory_space<vmem>> -> memref<125xi32, #tpu.memory_space<vmem>>
        %dma_start3A_114 = arith.constant 0 : i32
        %dma_start3A_115 = arith.constant 0 : i32
        %dma_start3A_116 = tpu.memref_slice %arg2[%dma_start3A_114, %dma_start3A_115] : memref<10000x128xf32, #tpu.memory_space<hbm>> -> memref<10000x128xf32, #tpu.memory_space<hbm>>
        tpu.enqueue_indirect_dma source(%dma_start3A_116 : memref<10000x128xf32, #tpu.memory_space<hbm>>) target(%arg8 : memref<125x128xf32, #tpu.memory_space<vmem>>) offsets(%dma_start3A_113 : memref<125xi32, #tpu.memory_space<vmem>>) semaphore(%arg11 : memref<!tpu.dma_semaphore, #tpu.memory_space<semaphore_mem>>)
      } else {
      }
      %mul3A_94 = arith.constant 2 : i32
      %mul3A_95 = arith.muli %mul3A_94, %scan3A_82 : i32
      %add3A_96 = arith.constant 1 : i32
      %add3A_97 = arith.addi %mul3A_95, %add3A_96 : i32
      %dma_wait3A_98 = arith.constant 0 : i32
      %dma_wait3A_99 = tpu.memref_slice %arg5[%add3A_97, %dma_wait3A_98] : memref<40x125xi32, #tpu.memory_space<vmem>> -> memref<1x125xi32, #tpu.memory_space<vmem>>
      %dma_wait3A_100 = tpu.memref_squeeze %dma_wait3A_99 : memref<1x125xi32, #tpu.memory_space<vmem>> -> memref<125xi32, #tpu.memory_space<vmem>>
      %dma_wait3A_101 = arith.constant 0 : i32
      %dma_wait3A_102 = arith.constant 0 : i32
      %dma_wait3A_103 = tpu.memref_slice %arg2[%dma_wait3A_101, %dma_wait3A_102] : memref<10000x128xf32, #tpu.memory_space<hbm>> -> memref<10000x128xf32, #tpu.memory_space<hbm>>
      tpu.wait_indirect_dma semaphore(%arg10 : memref<!tpu.dma_semaphore, #tpu.memory_space<semaphore_mem>>) src(%dma_wait3A_103 : memref<10000x128xf32, #tpu.memory_space<hbm>>) dst(%arg7 : memref<125x128xf32, #tpu.memory_space<vmem>>)
      "tpu.region"() ({
        %run_scoped3A_109 = tpu.sem_alloc : memref<!tpu.dma_semaphore, #tpu.memory_space<semaphore_mem>>
        %dma_start3A_110 = arith.constant 0 : i32
        %dma_start3A_111 = tpu.memref_slice %arg6[%add3A_97, %dma_start3A_110] : memref<40x125xi32, #tpu.memory_space<vmem>> -> memref<1x125xi32, #tpu.memory_space<vmem>>
        %dma_start3A_112 = tpu.memref_squeeze %dma_start3A_111 : memref<1x125xi32, #tpu.memory_space<vmem>> -> memref<125xi32, #tpu.memory_space<vmem>>
        %dma_start3A_113 = arith.constant 0 : i32
        %dma_start3A_114 = arith.constant 0 : i32
        %dma_start3A_115 = tpu.memref_slice %arg9[%dma_start3A_113, %dma_start3A_114] : memref<10000x128xf32, #tpu.memory_space<vmem_shared>> -> memref<10000x128xf32, #tpu.memory_space<vmem_shared>>
        tpu.enqueue_indirect_dma source(%arg7 : memref<125x128xf32, #tpu.memory_space<vmem>>) target(%dma_start3A_115 : memref<10000x128xf32, #tpu.memory_space<vmem_shared>>) offsets(%dma_start3A_112 : memref<125xi32, #tpu.memory_space<vmem>>) semaphore(%run_scoped3A_109 : memref<!tpu.dma_semaphore, #tpu.memory_space<semaphore_mem>>) {add = true}
        %dma_wait3A_116 = arith.constant 0 : i32
        %dma_wait3A_117 = tpu.memref_slice %arg6[%add3A_97, %dma_wait3A_116] : memref<40x125xi32, #tpu.memory_space<vmem>> -> memref<1x125xi32, #tpu.memory_space<vmem>>
        %dma_wait3A_118 = tpu.memref_squeeze %dma_wait3A_117 : memref<1x125xi32, #tpu.memory_space<vmem>> -> memref<125xi32, #tpu.memory_space<vmem>>
        %dma_wait3A_119 = arith.constant 0 : i32
        %dma_wait3A_120 = arith.constant 0 : i32
        %dma_wait3A_121 = tpu.memref_slice %arg9[%dma_wait3A_119, %dma_wait3A_120] : memref<10000x128xf32, #tpu.memory_space<vmem_shared>> -> memref<10000x128xf32, #tpu.memory_space<vmem_shared>>
        tpu.wait_indirect_dma semaphore(%run_scoped3A_109 : memref<!tpu.dma_semaphore, #tpu.memory_space<semaphore_mem>>) src(%arg7 : memref<125x128xf32, #tpu.memory_space<vmem>>) dst(%dma_wait3A_121 : memref<10000x128xf32, #tpu.memory_space<vmem_shared>>)
        tpu.yield
      }) : () -> ()
      %lt3A_104 = arith.constant 19 : i32
      %lt3A_105 = arith.cmpi slt, %scan3A_82, %lt3A_104 : i32
      %convert_element_type3A_106 = arith.extui %lt3A_105 : i1 to i32
      %cond3A_107 = arith.constant 0 : i32
      %cond3A_108 = arith.cmpi ne, %convert_element_type3A_106, %cond3A_107 : i32
      scf.if %cond3A_108 {
        %add3A_109 = arith.constant 2 : i32
        %add3A_110 = arith.addi %add3A_97, %add3A_109 : i32
        %dma_start3A_111 = arith.constant 0 : i32
        %dma_start3A_112 = tpu.memref_slice %arg5[%add3A_110, %dma_start3A_111] : memref<40x125xi32, #tpu.memory_space<vmem>> -> memref<1x125xi32, #tpu.memory_space<vmem>>
        %dma_start3A_113 = tpu.memref_squeeze %dma_start3A_112 : memref<1x125xi32, #tpu.memory_space<vmem>> -> memref<125xi32, #tpu.memory_space<vmem>>
        %dma_start3A_114 = arith.constant 0 : i32
        %dma_start3A_115 = arith.constant 0 : i32
        %dma_start3A_116 = tpu.memref_slice %arg2[%dma_start3A_114, %dma_start3A_115] : memref<10000x128xf32, #tpu.memory_space<hbm>> -> memref<10000x128xf32, #tpu.memory_space<hbm>>
        tpu.enqueue_indirect_dma source(%dma_start3A_116 : memref<10000x128xf32, #tpu.memory_space<hbm>>) target(%arg7 : memref<125x128xf32, #tpu.memory_space<vmem>>) offsets(%dma_start3A_113 : memref<125xi32, #tpu.memory_space<vmem>>) semaphore(%arg10 : memref<!tpu.dma_semaphore, #tpu.memory_space<semaphore_mem>>)
      } else {
      }
    }
    %scan3A_42 = arith.constant 20 : i32
    %mul3A_43 = arith.constant 80 : i32
    %mul3A_44 = arith.muli %add3A, %mul3A_43 : i32
    %add3A_45 = arith.constant 40 : i32
    %add3A_46 = arith.addi %mul3A_44, %add3A_45 : i32
    %run_scoped3A_47 = arith.constant 0 : i32
    "tpu.region"() ({
      %run_scoped3A_82 = tpu.sem_alloc : memref<!tpu.dma_semaphore, #tpu.memory_space<semaphore_mem>>
      %dma_start3A_83 = arith.constant 0 : i32
      %dma_start3A_84 = tpu.memref_slice %arg3[%run_scoped3A_47, %add3A_46, %dma_start3A_83] : memref<2x2560x125xi32, #tpu.memory_space<hbm>> -> memref<1x40x125xi32, #tpu.memory_space<hbm>>
      %dma_start3A_85 = tpu.memref_squeeze %dma_start3A_84 : memref<1x40x125xi32, #tpu.memory_space<hbm>> -> memref<40x125xi32, #tpu.memory_space<hbm>>
      %dma_start3A_86 = arith.constant 0 : i32
      %dma_start3A_87 = tpu.memref_slice %arg3[%run_scoped3A_47, %add3A_46, %dma_start3A_86] : memref<2x2560x125xi32, #tpu.memory_space<hbm>> -> memref<1x40x125xi32, #tpu.memory_space<hbm>>
      %dma_start3A_88 = tpu.memref_squeeze %dma_start3A_87 : memref<1x40x125xi32, #tpu.memory_space<hbm>> -> memref<40x125xi32, #tpu.memory_space<hbm>>
      tpu.enqueue_dma source(%dma_start3A_88 : memref<40x125xi32, #tpu.memory_space<hbm>>) target(%arg5 : memref<40x125xi32, #tpu.memory_space<vmem>>) target_semaphore(%run_scoped3A_82 : memref<!tpu.dma_semaphore, #tpu.memory_space<semaphore_mem>>)
      %dma_wait3A = arith.constant 0 : i32
      %dma_wait3A_89 = tpu.memref_slice %arg3[%run_scoped3A_47, %add3A_46, %dma_wait3A] : memref<2x2560x125xi32, #tpu.memory_space<hbm>> -> memref<1x40x125xi32, #tpu.memory_space<hbm>>
      %dma_wait3A_90 = tpu.memref_squeeze %dma_wait3A_89 : memref<1x40x125xi32, #tpu.memory_space<hbm>> -> memref<40x125xi32, #tpu.memory_space<hbm>>
      %dma_wait3A_91 = arith.constant 0 : i32
      %dma_wait3A_92 = tpu.memref_slice %arg3[%run_scoped3A_47, %add3A_46, %dma_wait3A_91] : memref<2x2560x125xi32, #tpu.memory_space<hbm>> -> memref<1x40x125xi32, #tpu.memory_space<hbm>>
      %dma_wait3A_93 = tpu.memref_squeeze %dma_wait3A_92 : memref<1x40x125xi32, #tpu.memory_space<hbm>> -> memref<40x125xi32, #tpu.memory_space<hbm>>
      tpu.wait_dma2 semaphore(%run_scoped3A_82 : memref<!tpu.dma_semaphore, #tpu.memory_space<semaphore_mem>>) src(%dma_wait3A_93 : memref<40x125xi32, #tpu.memory_space<hbm>>) dst(%arg5 : memref<40x125xi32, #tpu.memory_space<vmem>>)
      tpu.yield
    }) : () -> ()
    %run_scoped3A_48 = arith.constant 1 : i32
    "tpu.region"() ({
      %run_scoped3A_82 = tpu.sem_alloc : memref<!tpu.dma_semaphore, #tpu.memory_space<semaphore_mem>>
      %dma_start3A_83 = arith.constant 0 : i32
      %dma_start3A_84 = tpu.memref_slice %arg3[%run_scoped3A_48, %add3A_46, %dma_start3A_83] : memref<2x2560x125xi32, #tpu.memory_space<hbm>> -> memref<1x40x125xi32, #tpu.memory_space<hbm>>
      %dma_start3A_85 = tpu.memref_squeeze %dma_start3A_84 : memref<1x40x125xi32, #tpu.memory_space<hbm>> -> memref<40x125xi32, #tpu.memory_space<hbm>>
      %dma_start3A_86 = arith.constant 0 : i32
      %dma_start3A_87 = tpu.memref_slice %arg3[%run_scoped3A_48, %add3A_46, %dma_start3A_86] : memref<2x2560x125xi32, #tpu.memory_space<hbm>> -> memref<1x40x125xi32, #tpu.memory_space<hbm>>
      %dma_start3A_88 = tpu.memref_squeeze %dma_start3A_87 : memref<1x40x125xi32, #tpu.memory_space<hbm>> -> memref<40x125xi32, #tpu.memory_space<hbm>>
      tpu.enqueue_dma source(%dma_start3A_88 : memref<40x125xi32, #tpu.memory_space<hbm>>) target(%arg6 : memref<40x125xi32, #tpu.memory_space<vmem>>) target_semaphore(%run_scoped3A_82 : memref<!tpu.dma_semaphore, #tpu.memory_space<semaphore_mem>>)
      %dma_wait3A = arith.constant 0 : i32
      %dma_wait3A_89 = tpu.memref_slice %arg3[%run_scoped3A_48, %add3A_46, %dma_wait3A] : memref<2x2560x125xi32, #tpu.memory_space<hbm>> -> memref<1x40x125xi32, #tpu.memory_space<hbm>>
      %dma_wait3A_90 = tpu.memref_squeeze %dma_wait3A_89 : memref<1x40x125xi32, #tpu.memory_space<hbm>> -> memref<40x125xi32, #tpu.memory_space<hbm>>
      %dma_wait3A_91 = arith.constant 0 : i32
      %dma_wait3A_92 = tpu.memref_slice %arg3[%run_scoped3A_48, %add3A_46, %dma_wait3A_91] : memref<2x2560x125xi32, #tpu.memory_space<hbm>> -> memref<1x40x125xi32, #tpu.memory_space<hbm>>
      %dma_wait3A_93 = tpu.memref_squeeze %dma_wait3A_92 : memref<1x40x125xi32, #tpu.memory_space<hbm>> -> memref<40x125xi32, #tpu.memory_space<hbm>>
      tpu.wait_dma2 semaphore(%run_scoped3A_82 : memref<!tpu.dma_semaphore, #tpu.memory_space<semaphore_mem>>) src(%dma_wait3A_93 : memref<40x125xi32, #tpu.memory_space<hbm>>) dst(%arg6 : memref<40x125xi32, #tpu.memory_space<vmem>>)
      tpu.yield
    }) : () -> ()
    %dma_start3A_49 = arith.constant 0 : i32
    %dma_start3A_50 = arith.constant 0 : i32
    %dma_start3A_51 = tpu.memref_slice %arg5[%dma_start3A_49, %dma_start3A_50] : memref<40x125xi32, #tpu.memory_space<vmem>> -> memref<1x125xi32, #tpu.memory_space<vmem>>
    %dma_start3A_52 = tpu.memref_squeeze %dma_start3A_51 : memref<1x125xi32, #tpu.memory_space<vmem>> -> memref<125xi32, #tpu.memory_space<vmem>>
    %dma_start3A_53 = arith.constant 0 : i32
    %dma_start3A_54 = arith.constant 0 : i32
    %dma_start3A_55 = tpu.memref_slice %arg2[%dma_start3A_53, %dma_start3A_54] : memref<10000x128xf32, #tpu.memory_space<hbm>> -> memref<10000x128xf32, #tpu.memory_space<hbm>>
    tpu.enqueue_indirect_dma source(%dma_start3A_55 : memref<10000x128xf32, #tpu.memory_space<hbm>>) target(%arg7 : memref<125x128xf32, #tpu.memory_space<vmem>>) offsets(%dma_start3A_52 : memref<125xi32, #tpu.memory_space<vmem>>) semaphore(%arg10 : memref<!tpu.dma_semaphore, #tpu.memory_space<semaphore_mem>>)
    %dma_start3A_56 = arith.constant 1 : i32
    %dma_start3A_57 = arith.constant 0 : i32
    %dma_start3A_58 = tpu.memref_slice %arg5[%dma_start3A_56, %dma_start3A_57] : memref<40x125xi32, #tpu.memory_space<vmem>> -> memref<1x125xi32, #tpu.memory_space<vmem>>
    %dma_start3A_59 = tpu.memref_squeeze %dma_start3A_58 : memref<1x125xi32, #tpu.memory_space<vmem>> -> memref<125xi32, #tpu.memory_space<vmem>>
    %dma_start3A_60 = arith.constant 0 : i32
    %dma_start3A_61 = arith.constant 0 : i32
    %dma_start3A_62 = tpu.memref_slice %arg2[%dma_start3A_60, %dma_start3A_61] : memref<10000x128xf32, #tpu.memory_space<hbm>> -> memref<10000x128xf32, #tpu.memory_space<hbm>>
    tpu.enqueue_indirect_dma source(%dma_start3A_62 : memref<10000x128xf32, #tpu.memory_space<hbm>>) target(%arg8 : memref<125x128xf32, #tpu.memory_space<vmem>>) offsets(%dma_start3A_59 : memref<125xi32, #tpu.memory_space<vmem>>) semaphore(%arg11 : memref<!tpu.dma_semaphore, #tpu.memory_space<semaphore_mem>>)
    %scan3A_63 = arith.constant 0 : i32
    %scan3A_64 = arith.constant 0 : i32
    %scan3A_65 = arith.constant 20 : i32
    %scan3A_66 = arith.addi %scan3A_64, %scan3A_65 : i32
    %scan3A_67 = arith.constant 1 : i32
    scf.for %scan3A_82 = %scan3A_64 to %scan3A_66 step %scan3A_67  : i32 {
      %mul3A_83 = arith.constant 2 : i32
      %mul3A_84 = arith.muli %mul3A_83, %scan3A_82 : i32
      %add3A_85 = arith.constant 0 : i32
      %add3A_86 = arith.addi %mul3A_84, %add3A_85 : i32
      %dma_wait3A = arith.constant 0 : i32
      %dma_wait3A_87 = tpu.memref_slice %arg5[%add3A_86, %dma_wait3A] : memref<40x125xi32, #tpu.memory_space<vmem>> -> memref<1x125xi32, #tpu.memory_space<vmem>>
      %dma_wait3A_88 = tpu.memref_squeeze %dma_wait3A_87 : memref<1x125xi32, #tpu.memory_space<vmem>> -> memref<125xi32, #tpu.memory_space<vmem>>
      %dma_wait3A_89 = arith.constant 0 : i32
      %dma_wait3A_90 = arith.constant 0 : i32
      %dma_wait3A_91 = tpu.memref_slice %arg2[%dma_wait3A_89, %dma_wait3A_90] : memref<10000x128xf32, #tpu.memory_space<hbm>> -> memref<10000x128xf32, #tpu.memory_space<hbm>>
      tpu.wait_indirect_dma semaphore(%arg10 : memref<!tpu.dma_semaphore, #tpu.memory_space<semaphore_mem>>) src(%dma_wait3A_91 : memref<10000x128xf32, #tpu.memory_space<hbm>>) dst(%arg7 : memref<125x128xf32, #tpu.memory_space<vmem>>)
      "tpu.region"() ({
        %run_scoped3A_109 = tpu.sem_alloc : memref<!tpu.dma_semaphore, #tpu.memory_space<semaphore_mem>>
        %dma_start3A_110 = arith.constant 0 : i32
        %dma_start3A_111 = tpu.memref_slice %arg6[%add3A_86, %dma_start3A_110] : memref<40x125xi32, #tpu.memory_space<vmem>> -> memref<1x125xi32, #tpu.memory_space<vmem>>
        %dma_start3A_112 = tpu.memref_squeeze %dma_start3A_111 : memref<1x125xi32, #tpu.memory_space<vmem>> -> memref<125xi32, #tpu.memory_space<vmem>>
        %dma_start3A_113 = arith.constant 0 : i32
        %dma_start3A_114 = arith.constant 0 : i32
        %dma_start3A_115 = tpu.memref_slice %arg9[%dma_start3A_113, %dma_start3A_114] : memref<10000x128xf32, #tpu.memory_space<vmem_shared>> -> memref<10000x128xf32, #tpu.memory_space<vmem_shared>>
        tpu.enqueue_indirect_dma source(%arg7 : memref<125x128xf32, #tpu.memory_space<vmem>>) target(%dma_start3A_115 : memref<10000x128xf32, #tpu.memory_space<vmem_shared>>) offsets(%dma_start3A_112 : memref<125xi32, #tpu.memory_space<vmem>>) semaphore(%run_scoped3A_109 : memref<!tpu.dma_semaphore, #tpu.memory_space<semaphore_mem>>) {add = true}
        %dma_wait3A_116 = arith.constant 0 : i32
        %dma_wait3A_117 = tpu.memref_slice %arg6[%add3A_86, %dma_wait3A_116] : memref<40x125xi32, #tpu.memory_space<vmem>> -> memref<1x125xi32, #tpu.memory_space<vmem>>
        %dma_wait3A_118 = tpu.memref_squeeze %dma_wait3A_117 : memref<1x125xi32, #tpu.memory_space<vmem>> -> memref<125xi32, #tpu.memory_space<vmem>>
        %dma_wait3A_119 = arith.constant 0 : i32
        %dma_wait3A_120 = arith.constant 0 : i32
        %dma_wait3A_121 = tpu.memref_slice %arg9[%dma_wait3A_119, %dma_wait3A_120] : memref<10000x128xf32, #tpu.memory_space<vmem_shared>> -> memref<10000x128xf32, #tpu.memory_space<vmem_shared>>
        tpu.wait_indirect_dma semaphore(%run_scoped3A_109 : memref<!tpu.dma_semaphore, #tpu.memory_space<semaphore_mem>>) src(%arg7 : memref<125x128xf32, #tpu.memory_space<vmem>>) dst(%dma_wait3A_121 : memref<10000x128xf32, #tpu.memory_space<vmem_shared>>)
        tpu.yield
      }) : () -> ()
      %lt3A = arith.constant 19 : i32
      %lt3A_92 = arith.cmpi slt, %scan3A_82, %lt3A : i32
      %convert_element_type3A = arith.extui %lt3A_92 : i1 to i32
      %cond3A = arith.constant 0 : i32
      %cond3A_93 = arith.cmpi ne, %convert_element_type3A, %cond3A : i32
      scf.if %cond3A_93 {
        %add3A_109 = arith.constant 2 : i32
        %add3A_110 = arith.addi %add3A_86, %add3A_109 : i32
        %dma_start3A_111 = arith.constant 0 : i32
        %dma_start3A_112 = tpu.memref_slice %arg5[%add3A_110, %dma_start3A_111] : memref<40x125xi32, #tpu.memory_space<vmem>> -> memref<1x125xi32, #tpu.memory_space<vmem>>
        %dma_start3A_113 = tpu.memref_squeeze %dma_start3A_112 : memref<1x125xi32, #tpu.memory_space<vmem>> -> memref<125xi32, #tpu.memory_space<vmem>>
        %dma_start3A_114 = arith.constant 0 : i32
        %dma_start3A_115 = arith.constant 0 : i32
        %dma_start3A_116 = tpu.memref_slice %arg2[%dma_start3A_114, %dma_start3A_115] : memref<10000x128xf32, #tpu.memory_space<hbm>> -> memref<10000x128xf32, #tpu.memory_space<hbm>>
        tpu.enqueue_indirect_dma source(%dma_start3A_116 : memref<10000x128xf32, #tpu.memory_space<hbm>>) target(%arg7 : memref<125x128xf32, #tpu.memory_space<vmem>>) offsets(%dma_start3A_113 : memref<125xi32, #tpu.memory_space<vmem>>) semaphore(%arg10 : memref<!tpu.dma_semaphore, #tpu.memory_space<semaphore_mem>>)
      } else {
      }
      %mul3A_94 = arith.constant 2 : i32
      %mul3A_95 = arith.muli %mul3A_94, %scan3A_82 : i32
      %add3A_96 = arith.constant 1 : i32
      %add3A_97 = arith.addi %mul3A_95, %add3A_96 : i32
      %dma_wait3A_98 = arith.constant 0 : i32
      %dma_wait3A_99 = tpu.memref_slice %arg5[%add3A_97, %dma_wait3A_98] : memref<40x125xi32, #tpu.memory_space<vmem>> -> memref<1x125xi32, #tpu.memory_space<vmem>>
      %dma_wait3A_100 = tpu.memref_squeeze %dma_wait3A_99 : memref<1x125xi32, #tpu.memory_space<vmem>> -> memref<125xi32, #tpu.memory_space<vmem>>
      %dma_wait3A_101 = arith.constant 0 : i32
      %dma_wait3A_102 = arith.constant 0 : i32
      %dma_wait3A_103 = tpu.memref_slice %arg2[%dma_wait3A_101, %dma_wait3A_102] : memref<10000x128xf32, #tpu.memory_space<hbm>> -> memref<10000x128xf32, #tpu.memory_space<hbm>>
      tpu.wait_indirect_dma semaphore(%arg11 : memref<!tpu.dma_semaphore, #tpu.memory_space<semaphore_mem>>) src(%dma_wait3A_103 : memref<10000x128xf32, #tpu.memory_space<hbm>>) dst(%arg8 : memref<125x128xf32, #tpu.memory_space<vmem>>)
      "tpu.region"() ({
        %run_scoped3A_109 = tpu.sem_alloc : memref<!tpu.dma_semaphore, #tpu.memory_space<semaphore_mem>>
        %dma_start3A_110 = arith.constant 0 : i32
        %dma_start3A_111 = tpu.memref_slice %arg6[%add3A_97, %dma_start3A_110] : memref<40x125xi32, #tpu.memory_space<vmem>> -> memref<1x125xi32, #tpu.memory_space<vmem>>
        %dma_start3A_112 = tpu.memref_squeeze %dma_start3A_111 : memref<1x125xi32, #tpu.memory_space<vmem>> -> memref<125xi32, #tpu.memory_space<vmem>>
        %dma_start3A_113 = arith.constant 0 : i32
        %dma_start3A_114 = arith.constant 0 : i32
        %dma_start3A_115 = tpu.memref_slice %arg9[%dma_start3A_113, %dma_start3A_114] : memref<10000x128xf32, #tpu.memory_space<vmem_shared>> -> memref<10000x128xf32, #tpu.memory_space<vmem_shared>>
        tpu.enqueue_indirect_dma source(%arg8 : memref<125x128xf32, #tpu.memory_space<vmem>>) target(%dma_start3A_115 : memref<10000x128xf32, #tpu.memory_space<vmem_shared>>) offsets(%dma_start3A_112 : memref<125xi32, #tpu.memory_space<vmem>>) semaphore(%run_scoped3A_109 : memref<!tpu.dma_semaphore, #tpu.memory_space<semaphore_mem>>) {add = true}
        %dma_wait3A_116 = arith.constant 0 : i32
        %dma_wait3A_117 = tpu.memref_slice %arg6[%add3A_97, %dma_wait3A_116] : memref<40x125xi32, #tpu.memory_space<vmem>> -> memref<1x125xi32, #tpu.memory_space<vmem>>
        %dma_wait3A_118 = tpu.memref_squeeze %dma_wait3A_117 : memref<1x125xi32, #tpu.memory_space<vmem>> -> memref<125xi32, #tpu.memory_space<vmem>>
        %dma_wait3A_119 = arith.constant 0 : i32
        %dma_wait3A_120 = arith.constant 0 : i32
        %dma_wait3A_121 = tpu.memref_slice %arg9[%dma_wait3A_119, %dma_wait3A_120] : memref<10000x128xf32, #tpu.memory_space<vmem_shared>> -> memref<10000x128xf32, #tpu.memory_space<vmem_shared>>
        tpu.wait_indirect_dma semaphore(%run_scoped3A_109 : memref<!tpu.dma_semaphore, #tpu.memory_space<semaphore_mem>>) src(%arg8 : memref<125x128xf32, #tpu.memory_space<vmem>>) dst(%dma_wait3A_121 : memref<10000x128xf32, #tpu.memory_space<vmem_shared>>)
        tpu.yield
      }) : () -> ()
      %lt3A_104 = arith.constant 19 : i32
      %lt3A_105 = arith.cmpi slt, %scan3A_82, %lt3A_104 : i32
      %convert_element_type3A_106 = arith.extui %lt3A_105 : i1 to i32
      %cond3A_107 = arith.constant 0 : i32
      %cond3A_108 = arith.cmpi ne, %convert_element_type3A_106, %cond3A_107 : i32
      scf.if %cond3A_108 {
        %add3A_109 = arith.constant 2 : i32
        %add3A_110 = arith.addi %add3A_97, %add3A_109 : i32
        %dma_start3A_111 = arith.constant 0 : i32
        %dma_start3A_112 = tpu.memref_slice %arg5[%add3A_110, %dma_start3A_111] : memref<40x125xi32, #tpu.memory_space<vmem>> -> memref<1x125xi32, #tpu.memory_space<vmem>>
        %dma_start3A_113 = tpu.memref_squeeze %dma_start3A_112 : memref<1x125xi32, #tpu.memory_space<vmem>> -> memref<125xi32, #tpu.memory_space<vmem>>
        %dma_start3A_114 = arith.constant 0 : i32
        %dma_start3A_115 = arith.constant 0 : i32
        %dma_start3A_116 = tpu.memref_slice %arg2[%dma_start3A_114, %dma_start3A_115] : memref<10000x128xf32, #tpu.memory_space<hbm>> -> memref<10000x128xf32, #tpu.memory_space<hbm>>
        tpu.enqueue_indirect_dma source(%dma_start3A_116 : memref<10000x128xf32, #tpu.memory_space<hbm>>) target(%arg8 : memref<125x128xf32, #tpu.memory_space<vmem>>) offsets(%dma_start3A_113 : memref<125xi32, #tpu.memory_space<vmem>>) semaphore(%arg11 : memref<!tpu.dma_semaphore, #tpu.memory_space<semaphore_mem>>)
      } else {
      }
    }
    %scan3A_68 = arith.constant 20 : i32
    %barrier3A_69 = arith.constant 0 : index
    tpu.barrier barrier_id(%barrier3A_69)
    %scan3A_70 = arith.constant 0 : i32
    %scan3A_71 = arith.constant 0 : i32
    %scan3A_72 = arith.constant 8 : i32
    %scan3A_73 = arith.addi %scan3A_71, %scan3A_72 : i32
    %scan3A_74 = arith.constant 1 : i32
    scf.for %scan3A_82 = %scan3A_71 to %scan3A_73 step %scan3A_74  : i32 {
      %mul3A_83 = arith.constant 16 : i32
      %mul3A_84 = arith.muli %scan3A_82, %mul3A_83 : i32
      %add3A_85 = arith.addi %arg1, %mul3A_84 : i32
      %lt3A = arith.constant 125 : i32
      %lt3A_86 = arith.cmpi slt, %add3A_85, %lt3A : i32
      %convert_element_type3A = arith.extui %lt3A_86 : i1 to i32
      %cond3A = arith.constant 0 : i32
      %cond3A_87 = arith.cmpi ne, %convert_element_type3A, %cond3A : i32
      scf.if %cond3A_87 {
        %mul3A_88 = arith.constant 80 : i32
        %mul3A_89 = arith.muli %add3A_85, %mul3A_88 : i32
        %mul3A_90 = arith.constant 80 : i32
        %mul3A_91 = arith.muli %add3A_85, %mul3A_90 : i32
        %dma_start3A_92 = arith.constant 0 : i32
        %dma_start3A_93 = tpu.memref_slice %arg4[%arg0, %mul3A_91, %dma_start3A_92] : memref<2x10000x128xf32, #tpu.memory_space<hbm>> -> memref<1x80x128xf32, #tpu.memory_space<hbm>>
        %dma_start3A_94 = tpu.memref_squeeze %dma_start3A_93 : memref<1x80x128xf32, #tpu.memory_space<hbm>> -> memref<80x128xf32, #tpu.memory_space<hbm>>
        %dma_start3A_95 = arith.constant 0 : i32
        %dma_start3A_96 = tpu.memref_slice %arg9[%mul3A_89, %dma_start3A_95] : memref<10000x128xf32, #tpu.memory_space<vmem_shared>> -> memref<80x128xf32, #tpu.memory_space<vmem_shared>>
        tpu.enqueue_dma source(%dma_start3A_96 : memref<80x128xf32, #tpu.memory_space<vmem_shared>>) target(%dma_start3A_94 : memref<80x128xf32, #tpu.memory_space<hbm>>) target_semaphore(%arg10 : memref<!tpu.dma_semaphore, #tpu.memory_space<semaphore_mem>>)
      } else {
      }
    }
    %scan3A_75 = arith.constant 8 : i32
    %scan3A_76 = arith.constant 0 : i32
    %scan3A_77 = arith.constant 0 : i32
    %scan3A_78 = arith.constant 8 : i32
    %scan3A_79 = arith.addi %scan3A_77, %scan3A_78 : i32
    %scan3A_80 = arith.constant 1 : i32
    scf.for %scan3A_82 = %scan3A_77 to %scan3A_79 step %scan3A_80  : i32 {
      %mul3A_83 = arith.constant 16 : i32
      %mul3A_84 = arith.muli %scan3A_82, %mul3A_83 : i32
      %add3A_85 = arith.addi %arg1, %mul3A_84 : i32
      %lt3A = arith.constant 125 : i32
      %lt3A_86 = arith.cmpi slt, %add3A_85, %lt3A : i32
      %convert_element_type3A = arith.extui %lt3A_86 : i1 to i32
      %cond3A = arith.constant 0 : i32
      %cond3A_87 = arith.cmpi ne, %convert_element_type3A, %cond3A : i32
      scf.if %cond3A_87 {
        %mul3A_88 = arith.constant 80 : i32
        %mul3A_89 = arith.muli %add3A_85, %mul3A_88 : i32
        %mul3A_90 = arith.constant 80 : i32
        %mul3A_91 = arith.muli %add3A_85, %mul3A_90 : i32
        %dma_wait3A = arith.constant 0 : i32
        %dma_wait3A_92 = tpu.memref_slice %arg4[%arg0, %mul3A_91, %dma_wait3A] : memref<2x10000x128xf32, #tpu.memory_space<hbm>> -> memref<1x80x128xf32, #tpu.memory_space<hbm>>
        %dma_wait3A_93 = tpu.memref_squeeze %dma_wait3A_92 : memref<1x80x128xf32, #tpu.memory_space<hbm>> -> memref<80x128xf32, #tpu.memory_space<hbm>>
        %dma_wait3A_94 = arith.constant 0 : i32
        %dma_wait3A_95 = tpu.memref_slice %arg9[%mul3A_89, %dma_wait3A_94] : memref<10000x128xf32, #tpu.memory_space<vmem_shared>> -> memref<80x128xf32, #tpu.memory_space<vmem_shared>>
        tpu.wait_dma2 semaphore(%arg10 : memref<!tpu.dma_semaphore, #tpu.memory_space<semaphore_mem>>) src(%dma_wait3A_95 : memref<80x128xf32, #tpu.memory_space<vmem_shared>>) dst(%dma_wait3A_93 : memref<80x128xf32, #tpu.memory_space<hbm>>)
      } else {
      }
    }
    %scan3A_81 = arith.constant 8 : i32
    return
  }
}

module attributes {stable_mosaic.version = 14 : i64} {
  func.func @_tc_body(%arg0: i32, %arg1: memref<2x5000x128xf32, #tpu.memory_space<vmem>>, %arg2: memref<128x128xf32, #tpu.memory_space<vmem>>, %arg3: memref<1x128xf32, #tpu.memory_space<vmem>>, %arg4: memref<128x16xf32, #tpu.memory_space<vmem>>, %arg5: memref<1x16xf32, #tpu.memory_space<vmem>>, %arg6: memref<5000x128xf32, #tpu.memory_space<vmem>>, %arg7: memref<5000x16xf32, #tpu.memory_space<vmem>>) attributes {dimension_semantics = [#tpu.dimension_semantics<arbitrary>], iteration_bounds = array<i64: 2>, scalar_prefetch = 0 : i64, scratch_operands = 0 : i64, tpu.core_type = #tpu.core_type<tc>, window_params = [{transform_indices = @transform_0, window_bounds = array<i64: 2, 5000, 128>}, {pipeline_mode = #tpu.pipeline_mode<synchronous>, transform_indices = @transform_1, window_bounds = array<i64: 128, 128>}, {pipeline_mode = #tpu.pipeline_mode<synchronous>, transform_indices = @transform_2, window_bounds = array<i64: 1, 128>}, {pipeline_mode = #tpu.pipeline_mode<synchronous>, transform_indices = @transform_3, window_bounds = array<i64: 128, 16>}, {pipeline_mode = #tpu.pipeline_mode<synchronous>, transform_indices = @transform_4, window_bounds = array<i64: 1, 16>}, {transform_indices = @transform_5, window_bounds = array<i64: 5000, 128>}, {transform_indices = @transform_6, window_bounds = array<i64: 5000, 16>}]} {
    %get3A = arith.constant 0 : index
    %get3A_0 = arith.constant 0 : index
    %get3A_1 = arith.constant 0 : index
    %get3A_2 = vector.load %arg1[%get3A, %get3A_0, %get3A_1] : memref<2x5000x128xf32, #tpu.memory_space<vmem>>, vector<2x5000x128xf32>
    %slice3A = vector.extract_strided_slice %get3A_2 {offsets = [0, 0, 0], sizes = [1, 5000, 128], strides = [1, 1, 1]} : vector<2x5000x128xf32> to vector<1x5000x128xf32>
    %squeeze3A = vector.shape_cast %slice3A : vector<1x5000x128xf32> to vector<5000x128xf32>
    %slice3A_3 = vector.extract_strided_slice %get3A_2 {offsets = [1, 0, 0], sizes = [1, 5000, 128], strides = [1, 1, 1]} : vector<2x5000x128xf32> to vector<1x5000x128xf32>
    %squeeze3A_4 = vector.shape_cast %slice3A_3 : vector<1x5000x128xf32> to vector<5000x128xf32>
    %add3A = arith.addf %squeeze3A, %squeeze3A_4 : vector<5000x128xf32>
    %get3A_5 = arith.constant 0 : index
    %get3A_6 = arith.constant 0 : index
    %get3A_7 = vector.load %arg2[%get3A_5, %get3A_6] : memref<128x128xf32, #tpu.memory_space<vmem>>, vector<128x128xf32>
    %dot_general3A = arith.constant dense<0.000000e+00> : vector<5000x128xf32>
    %dot_general3A_8 = tpu.matmul %add3A, %get3A_7, %dot_general3A {dimension_numbers = #tpu.dot_dimension_numbers<[1], [0], [0], [1], [0, 0, 1, 1], [], []>, transpose_lhs_hint = false} : vector<5000x128xf32>, vector<128x128xf32>, vector<5000x128xf32> -> vector<5000x128xf32>
    %get3A_9 = arith.constant 0 : index
    %get3A_10 = arith.constant 0 : index
    %get3A_11 = vector.load %arg3[%get3A_9, %get3A_10] : memref<1x128xf32, #tpu.memory_space<vmem>>, vector<1x128xf32>
    %add3A_12 = vector.broadcast %get3A_11 : vector<1x128xf32> to vector<5000x128xf32>
    %add3A_13 = arith.addf %dot_general3A_8, %add3A_12 : vector<5000x128xf32>
    %swap3A = arith.constant 0 : index
    %swap3A_14 = arith.constant 0 : index
    %swap3A_15 = vector.load %arg6[%swap3A, %swap3A_14] : memref<5000x128xf32, #tpu.memory_space<vmem>>, vector<5000x128xf32>
    tpu.vector_store %arg6[%swap3A, %swap3A_14], %add3A_13 {strides = array<i32>} : memref<5000x128xf32, #tpu.memory_space<vmem>>, vector<5000x128xf32>,
    %get3A_16 = arith.constant 0 : index
    %get3A_17 = arith.constant 0 : index
    %get3A_18 = vector.load %arg4[%get3A_16, %get3A_17] : memref<128x16xf32, #tpu.memory_space<vmem>>, vector<128x16xf32>
    %dot_general3A_19 = arith.constant dense<0.000000e+00> : vector<5000x16xf32>
    %dot_general3A_20 = tpu.matmul %add3A_13, %get3A_18, %dot_general3A_19 {dimension_numbers = #tpu.dot_dimension_numbers<[1], [0], [0], [1], [0, 0, 1, 1], [], []>, transpose_lhs_hint = false} : vector<5000x128xf32>, vector<128x16xf32>, vector<5000x16xf32> -> vector<5000x16xf32>
    %get3A_21 = arith.constant 0 : index
    %get3A_22 = arith.constant 0 : index
    %get3A_23 = vector.load %arg5[%get3A_21, %get3A_22] : memref<1x16xf32, #tpu.memory_space<vmem>>, vector<1x16xf32>
    %add3A_24 = vector.broadcast %get3A_23 : vector<1x16xf32> to vector<5000x16xf32>
    %add3A_25 = arith.addf %dot_general3A_20, %add3A_24 : vector<5000x16xf32>
    %mul3A = arith.mulf %add3A_25, %add3A_25 : vector<5000x16xf32>
    %reduce_sum3A = arith.constant dense<0.000000e+00> : vector<5000xf32>
    %reduce_sum3A_26 = vector.multi_reduction <add>, %mul3A, %reduce_sum3A [1] : vector<5000x16xf32> to vector<5000xf32>
    %broadcast_in_dim3A = vector.shape_cast %reduce_sum3A_26 : vector<5000xf32> to vector<5000x1xf32>
    %sqrt3A = math.sqrt %broadcast_in_dim3A : vector<5000x1xf32>
    %max3A = arith.constant 9.99999996E-13 : f32
    %max3A_27 = vector.broadcast %max3A : f32 to vector<5000x1xf32>
    %max3A_28 = arith.maximumf %sqrt3A, %max3A_27 : vector<5000x1xf32>
    %div3A = vector.broadcast %max3A_28 : vector<5000x1xf32> to vector<5000x16xf32>
    %div3A_29 = arith.divf %add3A_25, %div3A : vector<5000x16xf32>
    %swap3A_30 = arith.constant 0 : index
    %swap3A_31 = arith.constant 0 : index
    %swap3A_32 = vector.load %arg7[%swap3A_30, %swap3A_31] : memref<5000x16xf32, #tpu.memory_space<vmem>>, vector<5000x16xf32>
    tpu.vector_store %arg7[%swap3A_30, %swap3A_31], %div3A_29 {strides = array<i32>} : memref<5000x16xf32, #tpu.memory_space<vmem>>, vector<5000x16xf32>,
    return
  }
  func.func @transform_0(%arg0: i32) -> (i32, i32, i32) {
    %c0_i32 = arith.constant 0 : i32
    %c0_i32_0 = arith.constant 0 : i32
    %c0_i32_1 = arith.constant 0 : i32
    return %c0_i32, %arg0, %c0_i32_0 : i32, i32, i32
  }
  func.func @transform_1(%arg0: i32) -> (i32, i32) {
    %c0_i32 = arith.constant 0 : i32
    %c0_i32_0 = arith.constant 0 : i32
    %c0_i32_1 = arith.constant 0 : i32
    return %c0_i32, %c0_i32_0 : i32, i32
  }
  func.func @transform_2(%arg0: i32) -> (i32, i32) {
    %c0_i32 = arith.constant 0 : i32
    %c0_i32_0 = arith.constant 0 : i32
    %c0_i32_1 = arith.constant 0 : i32
    return %c0_i32, %c0_i32_0 : i32, i32
  }
  func.func @transform_3(%arg0: i32) -> (i32, i32) {
    %c0_i32 = arith.constant 0 : i32
    %c0_i32_0 = arith.constant 0 : i32
    %c0_i32_1 = arith.constant 0 : i32
    return %c0_i32, %c0_i32_0 : i32, i32
  }
  func.func @transform_4(%arg0: i32) -> (i32, i32) {
    %c0_i32 = arith.constant 0 : i32
    %c0_i32_0 = arith.constant 0 : i32
    %c0_i32_1 = arith.constant 0 : i32
    return %c0_i32, %c0_i32_0 : i32, i32
  }
  func.func @transform_5(%arg0: i32) -> (i32, i32) {
    %c0_i32 = arith.constant 0 : i32
    %c0_i32_0 = arith.constant 0 : i32
    return %arg0, %c0_i32 : i32, i32
  }
  func.func @transform_6(%arg0: i32) -> (i32, i32) {
    %c0_i32 = arith.constant 0 : i32
    %c0_i32_0 = arith.constant 0 : i32
    return %arg0, %c0_i32 : i32, i32
  }
}

</mosaic_0001>

<sc_bundles>
// kernel: kernel.4.cloned.1.call-start
scs
__scs_entry_jumppad:
0x0: {  	(pc) =	sbr.rel $0x88, $3  }
0x1: {  	(tag) =	ssettag $0x0;
	lr =	simm.s32 $0x1  }
0x2: {  	[smem:$0x3F9B] =	sst lr;
	_ =	strace $0xD0000000  }
0x3: {  	_ = 	snop  }
0x4: {  	_ = 	snop  }
0x5: {  	_ = 	snop  }
0x6: {  	_ = 	snop  }
0x7: {  	_ = 	snop  }
__scs_overlays_trampoline_lowered:
0x8: {  	[smem:$0x3FAA] =	sst s0  }
0x9: {  	[smem:$0x3FAB] =	sst s1  }
0xa: {  	[smem:$0x3FAC] =	sst s2  }
0xb: {  	[smem:$0x3FAD] =	sst s3  }
0xc: {  	[smem:$0x3FAE] =	sst s4  }
0xd: {  	[smem:$0x3FAF] =	sst s5  }
0xe: {  	[smem:$0x3FB0] =	sst s6  }
0xf: {  	[smem:$0x3FB1] =	sst s7  }
0x10: {  	[smem:$0x3FB2] =	sst s8  }
0x11: {  	[smem:$0x3FB3] =	sst s9;
	s0 =	simm.s32 @!p0 $0x0  }
0x12: {  	s1 =	sld [smem:$0x3F99];
	s0 =	simm.s32 @p0 $0x1  }
0x13: {  	[smem:$0x3FB4] =	sst s0;
	s0 =	simm.s32 @!p1 $0x0  }
0x14: {  	s2 =	sld [smem:$0x3F98];
	s0 =	simm.s32 @p1 $0x1  }
0x15: {  	[smem:$0x3FB5] =	sst s0;
	s0 =	simm.s32 @!p2 $0x0  }
0x16: {  	s3 =	sld [smem:$0x3FDB];
	s0 =	simm.s32 @p2 $0x1  }
0x17: {  	s4 =	simm.s32 $0x1BF5;
	[smem:$0x3FB7] =	sst s0  }
0x18: {  	s0 =	sld [smem:$0x3F9A];
	_ =	swait.ge [sflag:s4], $0x0  }
0x19: {  	s7 =	sld [smem:$0x3F9B]  }
0x1a: {  	s8 =	sadd.s32 $0xFFFFE003, lr  }
0x1b: {  	s9 =	sadd.s32 $0xFFFFFEF7, lr;
	s5 =	simm.s32 $0xFFFFFFFF;
	p2 =	slt.u32 s8, $0xFFFFF086  }
0x1c: {  	p1 =	slt.u32 s9, $0xF7A;
	s5 =	simm.s32 @!p2 $0x0  }
0x1d: {  	s5 =	simm.s32 @p1 $0x1;
	p0 =	seq.s32 s7, s2  }
0x1e: {  	s7 =	smul.u32 @!p0 $0xF7A, s2;
	p2 =	seq.s32 @!p0 s5, $0x0  }
0x1f: {  	s9 =	smul.u32 $0xF7A, s1;
	s8 =	simm.s32 @!p0 $0x1BF5;
	p2 =	por !p2, p0  }
0x20: {  	[sflag:s8] =	ssyncset.s32 @!p0 $0xFFFFF086;
	s6 =	sadd.s32 @!p0 s3, s7;
	s7 =	simm.s32 @!p0 $0x108  }
0x21: {  	s3 =	sadd.s32 s3, s9;
	s6 =	sadd.s32 @!p0 $0x88, s6;
	s7 =	simm.s32 @p2 $0x1082  }
0x22: {  	[simem:s7], [sflag:s8] =	dma.local @!p0 [hbm:s6], $0xF7A  }
0x23: {  	s9 =	sor.u32 $0xD0000000, s2;
	s6 =	simm.s32 $0x108;
	_ =	swait.ge @!p0 [sflag:s8], $0x0  }
0x24: {  	s3 =	sadd.s32 $0x88, s3;
	s6 =	simm.s32 @!p1 $0x1082;
	[sflag:s4] =	ssyncset.s32 $0xFFFFF086  }
0x25: {  	[simem:s6], [sflag:s4] =	dma.local [hbm:s3], $0xF7A  }
0x26: {  	[smem:$0x3F9B] =	sst s1;
	(tag) =	ssettag s2;
	_ =	strace s9  }
0x27: {  	s1 =	sld [smem:$0x3FAB]  }
0x28: {  	s2 =	sld [smem:$0x3FAC]  }
0x29: {  	s4 =	sld [smem:$0x3FAE]  }
0x2a: {  	p0 =	seq.s32 s5, $0x0;
	s5 =	sld [smem:$0x3FAF]  }
0x2b: {  	s6 =	sld [smem:$0x3FB0]  }
0x2c: {  	s7 =	sld [smem:$0x3FB1]  }
0x2d: {  	s3 =	simm.s32 $0x108;
	s8 =	sld [smem:$0x3FB2]  }
0x2e: {  	s3 =	simm.s32 @!p0 $0x1082;
	s9 =	sld [smem:$0x3FB3]  }
0x2f: {  	lr =	sadd.s32 s0, s3;
	s0 =	sld [smem:$0x3FAA]  }
0x30: {  	s3 =	sld [smem:$0x3FAD]  }
0x31: {  	[smem:$0x3FB6] =	sst s10  }
0x32: {  	s10 =	sld [smem:$0x3FB4];
	_ =	sdelay $0x3  }
0x33: {  	p0 =	seq.s32 s10, $0x1;
	s10 =	sld [smem:$0x3FB6];
	_ =	sdelay $0x3  }
0x34: {  	[smem:$0x3FB6] =	sst s10  }
0x35: {  	s10 =	sld [smem:$0x3FB5];
	_ =	sdelay $0x3  }
0x36: {  	p1 =	seq.s32 s10, $0x1;
	s10 =	sld [smem:$0x3FB6];
	_ =	sdelay $0x3  }
0x37: {  	[smem:$0x3FB6] =	sst s10  }
0x38: {  	s10 =	sld [smem:$0x3FB7]  }
0x39: {  	_ = 	snop;
	(pc) =	sbr.ind lr, $3  }
0x3a: {  	_ = 	snop  }
0x3b: {  	_ = 	snop  }
0x3c: {  	p2 =	seq.s32 s10, $0x1;
	s10 =	sld [smem:$0x3FB6]  }
0x3d: {  	_ =	shalt  }
0x3e: {  	_ =	shalt  }
0x3f: {  	_ =	shalt  }
0x40: {  	_ =	shalt  }
0x41: {  	_ =	shalt  }
0x42: {  	_ =	shalt  }
0x43: {  	_ =	shalt  }
0x44: {  	_ =	shalt  }
0x45: {  	_ =	shalt  }
0x46: {  	_ =	shalt  }
0x47: {  	_ =	shalt  }
0x48: {  	_ =	shalt  }
0x49: {  	_ =	shalt  }
0x4a: {  	_ =	shalt  }
0x4b: {  	_ =	shalt  }
0x4c: {  	_ =	shalt  }
0x4d: {  	_ =	shalt  }
0x4e: {  	_ =	shalt  }
0x4f: {  	_ =	shalt  }
0x50: {  	_ =	shalt  }
0x51: {  	_ =	shalt  }
0x52: {  	_ =	shalt  }
0x53: {  	_ =	shalt  }
0x54: {  	_ =	shalt  }
0x55: {  	_ =	shalt  }
0x56: {  	_ =	shalt  }
0x57: {  	_ =	shalt  }
0x58: {  	_ =	shalt  }
0x59: {  	_ =	shalt  }
0x5a: {  	_ =	shalt  }
0x5b: {  	_ =	shalt  }
0x5c: {  	_ =	shalt  }
0x5d: {  	_ =	shalt  }
0x5e: {  	_ =	shalt  }
0x5f: {  	_ =	shalt  }
0x60: {  	_ =	shalt  }
0x61: {  	_ =	shalt  }
0x62: {  	_ =	shalt  }
0x63: {  	_ =	shalt  }
0x64: {  	_ =	shalt  }
0x65: {  	_ =	shalt  }
0x66: {  	_ =	shalt  }
0x67: {  	_ =	shalt  }
0x68: {  	_ =	shalt  }
0x69: {  	_ =	shalt  }
0x6a: {  	_ =	shalt  }
0x6b: {  	_ =	shalt  }
0x6c: {  	_ =	shalt  }
0x6d: {  	_ =	shalt  }
0x6e: {  	_ =	shalt  }
0x6f: {  	_ =	shalt  }
0x70: {  	_ =	shalt  }
0x71: {  	_ =	shalt  }
0x72: {  	_ =	shalt  }
0x73: {  	_ =	shalt  }
0x74: {  	_ =	shalt  }
0x75: {  	_ =	shalt  }
0x76: {  	_ =	shalt  }
0x77: {  	_ =	shalt  }
0x78: {  	_ =	shalt  }
0x79: {  	_ =	shalt  }
0x7a: {  	_ =	shalt  }
0x7b: {  	_ =	shalt  }
0x7c: {  	_ =	shalt  }
0x7d: {  	_ =	shalt  }
0x7e: {  	_ =	shalt  }
0x7f: {  	_ =	shalt  }
0x80: {  	_ =	shalt  }
0x81: {  	_ =	shalt  }
0x82: {  	_ =	shalt  }
0x83: {  	_ =	shalt  }
0x84: {  	_ =	shalt  }
0x85: {  	_ =	shalt  }
0x86: {  	_ =	shalt  }
0x87: {  	_ =	shalt  }
.Lfunc_end0:
.L_simem_size_0:
called_computation_lowered:
.L_overlay_start_0:
0x88: {  	s2 =	sld [smem:$0x3FD9]  }
0x89: {  	s3 =	sld [smem:$0x3FFE];
	_ =	sdelay $0x1  }
0x8a: {  	s1 =	srdreg.scid  }
0x8b: {  	s0 =	sand.u32 $0x1, s1  }
0x8c: {  	s14 =	sshll.u32 s0, $0xA;
	s2 =	sadd.s32 s3, s2  }
0x8d: {  	s2 =	sadd.s32 s2, s14  }
0x8e: {  	[smem:$0x3FC2] =	sst s2  }
0x8f: {  	_ = 	snop  }
0x90: {  	s2 =	sld [smem:$0x3FD0];
	_ =	sdelay $0x2  }
0x91: {  	s4 =	simm.s32 $0xA;
	s5 =	simm.s32 $0x10;
	s15 =	sld [smem:$0x3FC9]  }
0x92: {  	[smem:s5], [sflag:s4] =	dma.local [hbm:s2], $0x1  }
0x93: {  	_ =	swait.eq [sflag:s4], $0x1  }
0x94: {  	[sflag:s4] =	ssyncset.done $0x0  }
0x95: {  	[sflag:s4] =	ssyncadd.s32 $0xFFFFFFFF  }
0x96: {  	s16 =	sld [smem:$0x10];
	(tm) =	ssettm $0x1  }
0x97: {  	s17 =	sld [smem:$0x3FFB];
	_ =	sdelay $0x3  }
0x98: {  	_ =	strace s17  }
0x99: {  	s4 =	sld [smem:$0x3FFC];
	_ =	sdelay $0x3  }
0x9a: {  	_ =	strace s4  }
0x9b: {  	s4 =	sld [smem:$0x3FFD];
	_ =	sdelay $0x3  }
0x9c: {  	_ =	strace s4  }
0x9d: {  	_ =	strace $0x8FFFFFFF  }
0x9e: {  	s18 =	sld [smem:$0x3FDB];
	_ =	sdelay $0x1  }
0x9f: {  	s19 =	simm.s32 $_scs_section_size  }
0xa0: {  	s6 =	simm.s32 $_size__tile_overlayer_lowered;
	s7 =	simm.s32 $_tile_overlayer_lowered  }
0xa1: {  	s22 =	simm.s32 $0x1BFF;
	s21 =	sshll.u32 s7, $0x1;
	s4 =	sadd.s32 s19, s18  }
0xa2: {  	s8 =	simm.s32 $0x0;
	s20 =	sshll.u32 s6, $0x1;
	s6 =	sadd.s32 s21, s4  }
0xa3: {  	[timem:s8], [sflag:s22] =	dma.local [hbm:s6], s20  }
0xa4: {  	_ =	swait.ge [sflag:s22], s20  }
0xa5: {  	s5 =	ssub.s32 $0x0, s20;
	[sflag:s22] =	ssyncset.done $0x0  }
0xa6: {  	[sflag:s22] =	ssyncadd.s32 s5;
	_ =	sdelay $0x1  }
0xa7: {  	s23 =	simm.s32 $0x1B8B  }
0xa8: {  	_ =	swait.ge [sflag:s23], $0x1  }
0xa9: {  	[sflag:s23] =	ssyncset.done $0x0  }
0xaa: {  	s25 =	simm.s32 $0x1B8E;
	s24 =	sld [smem:$0x3FFE];
	[sflag:s23] =	ssyncadd.s32 $0xFFFFFFFF  }
0xab: {  	s26 =	simm.s32 $execute0_lowered;
	[smem:$0x3FD2] =	sst s25  }
0xac: {  	s6 =	sshll.u32 s26, $0x1;
	_ =	strace $0x80000046;
	[dreg:$0x1] =	wrdreg $0xFFFFFFFF  }
0xad: {  	s28 =	simm.s32 $_size_execute0_lowered;
	s4 =	sadd.s32 s4, s6;
	[dreg:$0x0] =	wrdreg $0x0  }
0xae: {  	s6 =	sshll.u32 s28, $0x1;
	[dreg:$0x2] =	wrdreg s4  }
0xaf: {  	[dreg:$0x3] =	wrdreg s6  }
0xb0: {  	[dreg:$0x4] =	wrdreg $0xC0  }
0xb1: {  	_ =	task [dreg:s8], $0x5FFFF  }
0xb2: {  	[dreg:$0x1] =	wrdreg $0xFFFFFFFF  }
0xb3: {  	[dreg:$0x0] =	wrdreg $0x60  }
0xb4: {  	[dreg:$0x2] =	wrdreg s15  }
0xb5: {  	[dreg:$0x3] =	wrdreg s16  }
0xb6: {  	[dreg:$0x4] =	wrdreg s24  }
0xb7: {  	[dreg:$0x5] =	wrdreg $0xA8000  }
0xb8: {  	[dreg:$0x6] =	wrdreg $0x9  }
0xb9: {  	_ =	task.clear_ibuf [dreg:s8], $0x7FFFF;
	_ =	strace $0x90000046  }
0xba: {  	s29 =	simm.s32 $0x9;
	_ =	strace $0x80000048  }
0xbb: {  	_ =	swait.ge [sflag:s29], $0x1  }
0xbc: {  	[sflag:s29] =	ssyncadd.s32 $0xFFFFFFFF  }
0xbd: {  	_ =	strace $0x90000048  }
0xbe: {  	_ =	sfence  }
0xbf: {  	s30 =	sld [smem:$0x0];
	_ =	sdelay $0x2  }
0xc0: {  	s31 =	sshll.u32 s1, $0xD;
	s1 =	sshrl.u32 s1, $0x2  }
0xc1: {  	s3 =	sand.u32 $0x4000, s31;
	s1 =	sadd.s32 s1, s30  }
0xc2: {  	s0 =	sor.u32 s3, s0;
	s1 =	sshll.u32 s1, $0x11  }
0xc3: {  	s0 =	sor.u32 s1, s0  }
0xc4: {  	s0 =	sadd.s32 $0x8F2B, s0  }
0xc5: {  	[sflag:s0] =	ssyncadd.remote.s32 $0x1  }
0xc6: {  	_ =	sfence.sel $0xFFFF  }
0xc7: {  	[dreg:$0x0] =	wrdreg $0xFFFFFFFF;
	(pc) =	sbr.abs _section_cstart, $3  }
0xc8: {  	[dreg:$0x1] =	wrdreg $0xFFFFFFFF  }
0xc9: {  	_ =	task.clear_ibuf [dreg:s8], $0x2FFFF;
	_ =	strace $0x9FFFFFFF  }
0xca: {  	(tm) =	ssettm $0x7FFFFFFF  }
0xcb: {  	_ =	shalt  }
tec
execute0_lowered:
.L_overlay_start_1:
0x0: {  	(tag) =	ssettag $0x1  }
0x1: {  	s1 =	rddreg [dreg:$0x0]  }
0x2: {  	s0 =	rddreg [dreg:$0x1]  }
0x3: {  	s3 =	rddreg [dreg:$0x2]  }
0x4: {  	s2 =	rddreg [dreg:$0x3]  }
0x5: {  	s4 =	srdreg.scid;
	s26 =	stileid.u32;
	s28 =	simm.s32 $0x4  }
0x6: {  	s29 =	simm.s32 $0x1400;
	s30 =	simm.s32 $0x7D;
	s9 =	smul.u32 $0x2800, s26  }
0x7: {  	s5 =	sand.u32 $0x1, s4;
	s25 =	sor.u32 $0x10, s26;
	s18 =	smul.u32 $0xA000, s26  }
0x8: {  	s6 =	sshll.u32 s5, $0x4;
	s7 =	ssub.s32 $0x2, s5;
	s5 =	smul.u32 $0x138800, s5  }
0x9: {  	s31 =	simm.s32 $0x6800;
	s10 =	sor.u32 $0x20, s26;
	s11 =	smul.u32 $0x2800, s25  }
0xa: {  	s4 =	simm.s32 $0x0;
	s20 =	sor.u32 $0x50, s26;
	s23 =	smul.u32 $0x2800, s10  }
0xb: {  	s3 =	sadd.s32 $0x1000, s3;
	s21 =	sor.u32 $0x60, s26;
	s15 =	smul.u32 $0x2800, s20  }
0xc: {  	s22 =	sor.u32 $0x70, s26;
	p1 =	sgt.u32 s26, $0xC;
	s16 =	smul.u32 $0x2800, s21  }
0xd: {  	[smem:$0x7FF] =	sst s4;
	s17 =	smul.u32 $0x2800, s22;
	p0 =	sgt.u32 s22, $0x7C  }
0xe: {  	s6 =	sor.u32 s26, s6;
	_ =	strace $0x80000047;
	s8 =	sshrl.u32 s7, $0x1  }
0xf: {  	s6 =	smul.u32 $0x2800, s6;
	s7 =	ssub.s32 s7, s8;
	s9 =	sadd.s32 s5, s9  }
0x10: {  	s11 =	sadd.s32 s5, s11;
	s15 =	sadd.s32 s5, s15;
	s16 =	sadd.s32 s5, s16  }
0x11: {  	s8 =	smul.u32 $0xA000, s25;
	s9 =	sshrl.u32 s9, $0x3;
	s6 =	sshrl.u32 s6, $0x3  }
0x12: {  	s25 =	sshrl.u32 s11, $0x3;
	s9 =	sadd.s32 s3, s9;
	s19 =	sadd.s32 s0, s6  }
0x13: {  	s0 =	sor.u32 $0x30, s26;
	s6 =	sadd.s32 s5, s23;
	[dreg:$0x7] =	wrdreg s9  }
0x14: {  	s9 =	sadd.s32 s3, s25;
	s23 =	sshrl.u32 s15, $0x3;
	s12 =	sadd.s32 $0xA000, s19  }
0x15: {  	s13 =	smul.u32 $0x2800, s0;
	s14 =	sadd.s32 $0x280, s19;
	[dreg:$0x8] =	wrdreg s9  }
0x16: {  	s6 =	sshrl.u32 s6, $0x3;
	s15 =	smov.u32 s19;
	s9 =	sshrl.u32 s18, $0x2  }
0x17: {  	s0 =	smul.u32 $0xA000, s0;
	[dreg:$0x5] =	wrdreg s12;
	s12 =	sor.u32 $0x40, s26  }
0x18: {  	[dreg:$0x6] =	wrdreg s14;
	s6 =	sadd.s32 s3, s6;
	s18 =	sadd.s32 s9, s2  }
0x19: {  	s26 =	simm.s32 $0x2800;
	s9 =	simm.s32 $0x2780;
	s24 =	smul.u32 $0x2800, s12  }
0x1a: {  	s13 =	sadd.s32 s5, s13;
	[dreg:$0x9] =	wrdreg s6;
	s0 =	sshrl.u32 s0, $0x2  }
0x1b: {  	s11 =	sshrl.u32 s13, $0x3;
	s14 =	sadd.s32 s5, s24;
	s5 =	sadd.s32 s5, s17  }
0x1c: {  	s13 =	sadd.s32 s3, s11;
	s24 =	sshrl.u32 s16, $0x3;
	s11 =	smul.u32 $0xA000, s12  }
0x1d: {  	s16 =	sadd.s32 $0xA280, s19;
	s12 =	smul.u32 $0xA000, s20;
	[dreg:$0xa] =	wrdreg s13  }
0x1e: {  	s17 =	sshrl.u32 s14, $0x3;
	s25 =	sadd.s32 s3, s24;
	s13 =	smul.u32 $0xA000, s21  }
0x1f: {  	s5 =	sshrl.u32 s5, $0x3;
	s14 =	smul.u32 $0xA000, s22;
	s21 =	sadd.s32 s0, s2  }
0x20: {  	s0 =	simm.s32 $0x3;
	s6 =	sadd.s32 s3, s17;
	[dreg:$0xd] =	wrdreg s25  }
0x21: {  	s17 =	smax.u32 s7, $0x1;
	s7 =	simm.s32 $0x1;
	[dreg:$0xb] =	wrdreg s6  }
0x22: {  	s6 =	sadd.s32 s3, s23;
	s3 =	sadd.s32 s3, s5;
	s23 =	sshrl.u32 s12, $0x2  }
0x23: {  	s24 =	sshrl.u32 s13, $0x2;
	s25 =	sshrl.u32 s14, $0x2;
	[dreg:$0xc] =	wrdreg s6  }
0x24: {  	[dreg:$0xe] =	wrdreg s3;
	s6 =	smul.u32 $0xA000, s10;
	s10 =	sshrl.u32 s8, $0x2  }
0x25: {  	s23 =	sadd.s32 s23, s2;
	s24 =	sadd.s32 s24, s2;
	s25 =	sadd.s32 s25, s2  }
0x26: {  	s8 =	simm.s32 $0x2700;
	s19 =	sadd.s32 s10, s2;
	s3 =	sshrl.u32 s6, $0x2  }
0x27: {  	s10 =	simm.s32 $0x0;
	s6 =	sshrl.u32 s11, $0x2;
	s20 =	sadd.s32 s3, s2  }
0x28: {  	v0 =	vimm.f32 $0.0e+00;
	s22 =	sadd.s32 s6, s2;
	s3 =	simm.s32 $0x80;
	s6 =	simm.s32 $0x2  }
.LBB2_1:
0x29: {  	s5 =	simm.s32 $0x0  }
0x2a: {  	s11 =	sand.u32 $0xFFFFFF80, s5  }
0x2b: {  	s11 =	ssub.s32 $0x0, s11  }
0x2c: {  	s5 =	sand.u32 $0x3FFFFF80, s5;
	s11 =	sand.u32 $0xFFFFFF80, s11  }
0x2d: {  	s12 =	sand.u32 $0x70, s4;
	s5 =	sadd.s32 s11, s5  }
0x2e: {  	s11 =	simm.s32 $0x1;
	s5 =	sor.u32 s12, s5;
	s12 =	simm.s32 $0x0  }
.LBB2_2:
0x2f: {  	s13 =	sshll.u32 s11, $0x4;
	p2 =	sne.s32 s11, $0x27F;
	s11 =	sadd.s32 $0x1, s11;
	[tilespmem:s5+$0x2800] =	vst v0  }
.Ltmp0:
0x30: {  	s12 =	sadd.s32 $0x10, s12;
	s5 =	sand.u32 $0xFFFFFF80, s13;
	(pc) =	sbr.rel @p2 .LBB2_2-.Ltmp0, $4  }
0x31: {  	s5 =	ssub.s32 s12, s5  }
0x32: {  	s13 =	sand.u32 $0x3FFFFF80, s13;
	s5 =	sand.u32 $0xFFFFFF80, s5  }
0x33: {  	s14 =	sand.u32 $0x70, s12;
	s5 =	sadd.s32 s5, s13  }
0x34: {  	s5 =	sor.u32 s14, s5  }
0x35: {  	[tilespmem:s5+$0x2800] =	vst v0  }
0x36: {  	[spmem:s18] =	stream.linear.scatter [tilespmem:s26], [sflag:$0x3], $0x2800, $0x38;
	[tilespmem:$0x1E080] =	vst v63  }
0x37: {  	_ = 	snop  }
0x38: {  	[spmem:s19] =	stream.linear.scatter [tilespmem:s26], [sflag:$0x3], $0x2800, $0x38;
	[tilespmem:$0x1E080] =	vst v63  }
0x39: {  	_ = 	snop  }
0x3a: {  	[spmem:s20] =	stream.linear.scatter [tilespmem:s26], [sflag:$0x3], $0x2800, $0x38;
	[tilespmem:$0x1E080] =	vst v63  }
0x3b: {  	_ = 	snop  }
0x3c: {  	[spmem:s21] =	stream.linear.scatter [tilespmem:s26], [sflag:$0x3], $0x2800, $0x38;
	[tilespmem:$0x1E080] =	vst v63  }
0x3d: {  	_ = 	snop  }
0x3e: {  	[spmem:s22] =	stream.linear.scatter [tilespmem:s26], [sflag:$0x3], $0x2800, $0x38;
	[tilespmem:$0x1E080] =	vst v63  }
0x3f: {  	_ = 	snop  }
0x40: {  	[spmem:s23] =	stream.linear.scatter [tilespmem:s26], [sflag:$0x3], $0x2800, $0x38;
	[tilespmem:$0x1E080] =	vst v63  }
0x41: {  	_ = 	snop  }
0x42: {  	[spmem:s24] =	stream.linear.scatter [tilespmem:s26], [sflag:$0x3], $0x2800, $0x38;
	[tilespmem:$0x1E080] =	vst v63  }
0x43: {  	s5 =	simm.s32 @!p0 $0x2800  }
0x44: {  	[spmem:s25] =	stream.linear.scatter @!p0 [tilespmem:s5], [sflag:$0x3], $0x2800, $0x38;
	[tilespmem:$0x1E080] =	vst v63  }
0x45: {  	_ = 	snop  }
0x46: {  	[tilespmem:s4], [sflag:$0x4] =	stream.linear.gather [hbm4b:s15+s4], $0x1400, $0x38;
	[tilespmem:$0x1E080] =	vst v63  }
0x47: {  	_ =	swait.ge [sflag:s28], $0x1400  }
0x48: {  	[sflag:s28] =	ssyncset.done $0x0  }
0x49: {  	s11 =	rddreg [dreg:$0x5];
	[sflag:s28] =	ssyncadd.s32 $0xFFFFEC00  }
0x4a: {  	[tilespmem:s29], [sflag:$0x4] =	stream.linear.gather [hbm4b:s11+s4], $0x1400, $0x38;
	[tilespmem:$0x1E080] =	vst v63  }
0x4b: {  	_ =	swait.ge [sflag:s28], $0x1400  }
0x4c: {  	[sflag:s28] =	ssyncset.done $0x0  }
0x4d: {  	[sflag:s28] =	ssyncadd.s32 $0xFFFFEC00  }
0x4e: {  	[tilespmem:s31], [sflag:$0x2] =	stream.indirect.gather [hbm4b:s1+s30], $0x80, s4, s30, $0xb8;
	[tilespmem:$0x1E080] =	vst v63  }
0x4f: {  	_ =	swait.ge [sflag:s0], $0x2800  }
0x50: {  	[sflag:s0] =	ssyncset.done $0x0  }
0x51: {  	[sflag:s0] =	ssyncadd.s32 $0xFFFFD800  }
0x52: {  	_ =	swait.ge [sflag:s0], $0x2800  }
0x53: {  	[sflag:s0] =	ssyncset.done $0x0  }
0x54: {  	[sflag:s0] =	ssyncadd.s32 $0xFFFFD800  }
0x55: {  	_ =	swait.ge [sflag:s0], $0x2800  }
0x56: {  	[sflag:s0] =	ssyncset.done $0x0  }
0x57: {  	[sflag:s0] =	ssyncadd.s32 $0xFFFFD800  }
0x58: {  	_ =	swait.ge [sflag:s0], $0x2800  }
0x59: {  	[sflag:s0] =	ssyncset.done $0x0  }
0x5a: {  	[sflag:s0] =	ssyncadd.s32 $0xFFFFD800  }
0x5b: {  	_ =	swait.ge [sflag:s0], $0x2800  }
0x5c: {  	[sflag:s0] =	ssyncset.done $0x0  }
0x5d: {  	[sflag:s0] =	ssyncadd.s32 $0xFFFFD800  }
0x5e: {  	_ =	swait.ge [sflag:s0], $0x2800  }
0x5f: {  	[sflag:s0] =	ssyncset.done $0x0  }
0x60: {  	[sflag:s0] =	ssyncadd.s32 $0xFFFFD800  }
0x61: {  	_ =	swait.ge [sflag:s0], $0x2800  }
0x62: {  	[sflag:s0] =	ssyncset.done $0x0  }
0x63: {  	s5 =	simm.s32 @!p1 $0x3;
	[sflag:s0] =	ssyncadd.s32 $0xFFFFD800  }
0x64: {  	_ =	swait.ge @!p1 [sflag:s5], $0x2800  }
0x65: {  	[sflag:s5] =	ssyncset.done @!p1 $0x0  }
0x66: {  	[sflag:s5] =	ssyncadd.s32 @!p1 $0xFFFFD800  }
0x67: {  	[bflag:$0x0] =	sbarrier.arrive $0xFFFF  }
0x68: {  	[tilespmem:s26], [sflag:$0x1] =	stream.indirect.gather [hbm4b:s1+s30], $0x80, s3, s30, $0xb8;
	[tilespmem:$0x1E080] =	vst v63  }
0x69: {  	_ =	swait.ge [sflag:s6], $0x3E80  }
0x6a: {  	[sflag:s6] =	ssyncset.done $0x0  }
0x6b: {  	s12 =	simm.s32 $0x1400;
	[sflag:s6] =	ssyncadd.s32 $0xFFFFC180  }
0x6c: {  	[spmem:s2] =	stream.indirect.scatter.add.f32 [tilespmem:s31], [sflag:$0x4], $0x80, s12, s30, $0xb8;
	[tilespmem:$0x1E080] =	vst v63  }
0x6d: {  	_ =	swait.ge [sflag:s28], $0x3E80  }
0x6e: {  	[sflag:s28] =	ssyncset.done $0x0  }
0x6f: {  	s13 =	simm.s32 $0x100;
	[sflag:s28] =	ssyncadd.s32 $0xFFFFC180  }
0x70: {  	[tilespmem:s31], [sflag:$0x2] =	stream.indirect.gather [hbm4b:s1+s30], $0x80, s13, s30, $0xb8;
	[tilespmem:$0x1E080] =	vst v63  }
0x71: {  	_ =	swait.ge [sflag:s7], $0x3E80  }
0x72: {  	[sflag:s7] =	ssyncset.done $0x0  }
0x73: {  	s14 =	simm.s32 $0x1480;
	[sflag:s7] =	ssyncadd.s32 $0xFFFFC180  }
0x74: {  	[spmem:s2] =	stream.indirect.scatter.add.f32 [tilespmem:s26], [sflag:$0x4], $0x80, s14, s30, $0xb8;
	[tilespmem:$0x1E080] =	vst v63  }
0x75: {  	_ =	swait.ge [sflag:s28], $0x3E80  }
0x76: {  	[sflag:s28] =	ssyncset.done $0x0  }
0x77: {  	s11 =	simm.s32 $0x400;
	s5 =	simm.s32 $0x180;
	[sflag:s28] =	ssyncadd.s32 $0xFFFFC180  }
.LBB2_4:
0x78: {  	[tilespmem:s26], [sflag:$0x1] =	stream.indirect.gather [hbm4b:s1+s30], $0x80, s5, s30, $0xb8;
	[tilespmem:$0x1E080] =	vst v63  }
0x79: {  	s5 =	smov.u32 s11  }
0x7a: {  	p2 =	sne.s32 s11, $0x4800;
	s11 =	sadd.s32 $0x400, s11;
	_ =	swait.ge [sflag:s6], $0x3E80  }
0x7b: {  	s5 =	sshra.s32 s5, $0x2;
	[sflag:s6] =	ssyncset.done $0x0  }
0x7c: {  	s12 =	sadd.s32 $0x1400, s5;
	[sflag:s6] =	ssyncadd.s32 $0xFFFFC180  }
0x7d: {  	[spmem:s2] =	stream.indirect.scatter.add.f32 [tilespmem:s31], [sflag:$0x4], $0x80, s12, s30, $0xb8;
	[tilespmem:$0x1E080] =	vst v63  }
0x7e: {  	_ =	swait.ge [sflag:s28], $0x3E80  }
0x7f: {  	[sflag:s28] =	ssyncset.done $0x0  }
0x80: {  	s12 =	sadd.s32 $0x100, s5;
	[sflag:s28] =	ssyncadd.s32 $0xFFFFC180  }
0x81: {  	[tilespmem:s31], [sflag:$0x2] =	stream.indirect.gather [hbm4b:s1+s30], $0x80, s12, s30, $0xb8;
	[tilespmem:$0x1E080] =	vst v63  }
0x82: {  	_ =	swait.ge [sflag:s7], $0x3E80  }
0x83: {  	[sflag:s7] =	ssyncset.done $0x0  }
.Ltmp1:
0x84: {  	s12 =	sadd.s32 $0x1480, s5;
	[sflag:s7] =	ssyncadd.s32 $0xFFFFC180;
	(pc) =	sbr.rel @p2 .LBB2_4-.Ltmp1, $4  }
0x85: {  	[spmem:s2] =	stream.indirect.scatter.add.f32 [tilespmem:s26], [sflag:$0x4], $0x80, s12, s30, $0xb8;
	[tilespmem:$0x1E080] =	vst v63  }
0x86: {  	_ =	swait.ge [sflag:s28], $0x3E80  }
0x87: {  	[sflag:s28] =	ssyncset.done $0x0  }
0x88: {  	s5 =	sadd.s32 $0x180, s5;
	[sflag:s28] =	ssyncadd.s32 $0xFFFFC180  }
0x89: {  	[tilespmem:s26], [sflag:$0x1] =	stream.indirect.gather [hbm4b:s1+s30], $0x80, s5, s30, $0xb8;
	[tilespmem:$0x1E080] =	vst v63  }
0x8a: {  	_ =	swait.ge [sflag:s6], $0x3E80  }
0x8b: {  	[sflag:s6] =	ssyncset.done $0x0  }
0x8c: {  	[sflag:s6] =	ssyncadd.s32 $0xFFFFC180  }
0x8d: {  	[spmem:s2] =	stream.indirect.scatter.add.f32 [tilespmem:s31], [sflag:$0x4], $0x80, s8, s30, $0xb8;
	[tilespmem:$0x1E080] =	vst v63  }
0x8e: {  	_ =	swait.ge [sflag:s28], $0x3E80  }
0x8f: {  	[sflag:s28] =	ssyncset.done $0x0  }
0x90: {  	[sflag:s28] =	ssyncadd.s32 $0xFFFFC180  }
0x91: {  	_ =	swait.ge [sflag:s7], $0x3E80  }
0x92: {  	[sflag:s7] =	ssyncset.done $0x0  }
0x93: {  	[sflag:s7] =	ssyncadd.s32 $0xFFFFC180  }
0x94: {  	[spmem:s2] =	stream.indirect.scatter.add.f32 [tilespmem:s26], [sflag:$0x4], $0x80, s9, s30, $0xb8;
	[tilespmem:$0x1E080] =	vst v63  }
0x95: {  	_ =	swait.ge [sflag:s28], $0x3E80  }
0x96: {  	[sflag:s28] =	ssyncset.done $0x0  }
0x97: {  	s14 =	simm.s32 $0x0;
	s11 =	rddreg [dreg:$0x6];
	[sflag:s28] =	ssyncadd.s32 $0xFFFFC180  }
0x98: {  	[tilespmem:s14], [sflag:$0x4] =	stream.linear.gather [hbm4b:s11+s14], $0x1400, $0x38;
	[tilespmem:$0x1E080] =	vst v63  }
0x99: {  	_ =	swait.ge [sflag:s28], $0x1400  }
0x9a: {  	[sflag:s28] =	ssyncset.done $0x0  }
0x9b: {  	[sflag:s28] =	ssyncadd.s32 $0xFFFFEC00  }
0x9c: {  	[tilespmem:s29], [sflag:$0x4] =	stream.linear.gather [hbm4b:s16+s14], $0x1400, $0x38;
	[tilespmem:$0x1E080] =	vst v63  }
0x9d: {  	_ =	swait.ge [sflag:s28], $0x1400  }
0x9e: {  	[sflag:s28] =	ssyncset.done $0x0  }
0x9f: {  	[sflag:s28] =	ssyncadd.s32 $0xFFFFEC00  }
0xa0: {  	[tilespmem:s26], [sflag:$0x1] =	stream.indirect.gather [hbm4b:s1+s30], $0x80, s14, s30, $0xb8;
	[tilespmem:$0x1E080] =	vst v63  }
0xa1: {  	_ = 	snop  }
0xa2: {  	[tilespmem:s31], [sflag:$0x2] =	stream.indirect.gather [hbm4b:s1+s30], $0x80, s3, s30, $0xb8;
	[tilespmem:$0x1E080] =	vst v63  }
0xa3: {  	_ =	swait.ge [sflag:s7], $0x3E80  }
0xa4: {  	[sflag:s7] =	ssyncset.done $0x0  }
0xa5: {  	s12 =	simm.s32 $0x1400;
	[sflag:s7] =	ssyncadd.s32 $0xFFFFC180  }
0xa6: {  	[spmem:s2] =	stream.indirect.scatter.add.f32 [tilespmem:s26], [sflag:$0x4], $0x80, s12, s30, $0xb8;
	[tilespmem:$0x1E080] =	vst v63  }
0xa7: {  	_ =	swait.ge [sflag:s28], $0x3E80  }
0xa8: {  	[sflag:s28] =	ssyncset.done $0x0  }
0xa9: {  	s13 =	simm.s32 $0x100;
	[sflag:s28] =	ssyncadd.s32 $0xFFFFC180  }
0xaa: {  	[tilespmem:s26], [sflag:$0x1] =	stream.indirect.gather [hbm4b:s1+s30], $0x80, s13, s30, $0xb8;
	[tilespmem:$0x1E080] =	vst v63  }
0xab: {  	_ =	swait.ge [sflag:s6], $0x3E80  }
0xac: {  	[sflag:s6] =	ssyncset.done $0x0  }
0xad: {  	s14 =	simm.s32 $0x1480;
	[sflag:s6] =	ssyncadd.s32 $0xFFFFC180  }
0xae: {  	[spmem:s2] =	stream.indirect.scatter.add.f32 [tilespmem:s31], [sflag:$0x4], $0x80, s14, s30, $0xb8;
	[tilespmem:$0x1E080] =	vst v63  }
0xaf: {  	_ =	swait.ge [sflag:s28], $0x3E80  }
0xb0: {  	[sflag:s28] =	ssyncset.done $0x0  }
0xb1: {  	s5 =	simm.s32 $0x180;
	s11 =	simm.s32 $0x400;
	[sflag:s28] =	ssyncadd.s32 $0xFFFFC180  }
.LBB2_6:
0xb2: {  	[tilespmem:s31], [sflag:$0x2] =	stream.indirect.gather [hbm4b:s1+s30], $0x80, s5, s30, $0xb8;
	[tilespmem:$0x1E080] =	vst v63  }
0xb3: {  	s5 =	smov.u32 s11  }
0xb4: {  	p2 =	sne.s32 s11, $0x4800;
	s11 =	sadd.s32 $0x400, s11;
	_ =	swait.ge [sflag:s7], $0x3E80  }
0xb5: {  	s5 =	sshra.s32 s5, $0x2;
	[sflag:s7] =	ssyncset.done $0x0  }
0xb6: {  	s12 =	sadd.s32 $0x1400, s5;
	[sflag:s7] =	ssyncadd.s32 $0xFFFFC180  }
0xb7: {  	[spmem:s2] =	stream.indirect.scatter.add.f32 [tilespmem:s26], [sflag:$0x4], $0x80, s12, s30, $0xb8;
	[tilespmem:$0x1E080] =	vst v63  }
0xb8: {  	_ =	swait.ge [sflag:s28], $0x3E80  }
0xb9: {  	[sflag:s28] =	ssyncset.done $0x0  }
0xba: {  	s12 =	sadd.s32 $0x100, s5;
	[sflag:s28] =	ssyncadd.s32 $0xFFFFC180  }
0xbb: {  	[tilespmem:s26], [sflag:$0x1] =	stream.indirect.gather [hbm4b:s1+s30], $0x80, s12, s30, $0xb8;
	[tilespmem:$0x1E080] =	vst v63  }
0xbc: {  	_ =	swait.ge [sflag:s6], $0x3E80  }
0xbd: {  	[sflag:s6] =	ssyncset.done $0x0  }
.Ltmp2:
0xbe: {  	s12 =	sadd.s32 $0x1480, s5;
	[sflag:s6] =	ssyncadd.s32 $0xFFFFC180;
	(pc) =	sbr.rel @p2 .LBB2_6-.Ltmp2, $4  }
0xbf: {  	[spmem:s2] =	stream.indirect.scatter.add.f32 [tilespmem:s31], [sflag:$0x4], $0x80, s12, s30, $0xb8;
	[tilespmem:$0x1E080] =	vst v63  }
0xc0: {  	_ =	swait.ge [sflag:s28], $0x3E80  }
0xc1: {  	[sflag:s28] =	ssyncset.done $0x0  }
0xc2: {  	s5 =	sadd.s32 $0x180, s5;
	[sflag:s28] =	ssyncadd.s32 $0xFFFFC180  }
0xc3: {  	[tilespmem:s31], [sflag:$0x2] =	stream.indirect.gather [hbm4b:s1+s30], $0x80, s5, s30, $0xb8;
	[tilespmem:$0x1E080] =	vst v63  }
0xc4: {  	_ =	swait.ge [sflag:s7], $0x3E80  }
0xc5: {  	[sflag:s7] =	ssyncset.done $0x0  }
0xc6: {  	[sflag:s7] =	ssyncadd.s32 $0xFFFFC180  }
0xc7: {  	[spmem:s2] =	stream.indirect.scatter.add.f32 [tilespmem:s26], [sflag:$0x4], $0x80, s8, s30, $0xb8;
	[tilespmem:$0x1E080] =	vst v63  }
0xc8: {  	_ =	swait.ge [sflag:s28], $0x3E80  }
0xc9: {  	[sflag:s28] =	ssyncset.done $0x0  }
0xca: {  	[sflag:s28] =	ssyncadd.s32 $0xFFFFC180  }
0xcb: {  	_ =	swait.ge [sflag:s6], $0x3E80  }
0xcc: {  	[sflag:s6] =	ssyncset.done $0x0  }
0xcd: {  	[sflag:s6] =	ssyncadd.s32 $0xFFFFC180  }
0xce: {  	[spmem:s2] =	stream.indirect.scatter.add.f32 [tilespmem:s31], [sflag:$0x4], $0x80, s9, s30, $0xb8;
	[tilespmem:$0x1E080] =	vst v63  }
0xcf: {  	_ =	swait.ge [sflag:s28], $0x3E80  }
0xd0: {  	[sflag:s28] =	ssyncset.done $0x0  }
0xd1: {  	s12 =	stileid.u32;
	[sflag:s28] =	ssyncadd.s32 $0xFFFFC180  }
0xd2: {  	s5 =	sshll.u32 s12, $0x6;
	[bflag:$0x0] =	sbarrier.arrive $0xFFFF  }
0xd3: {  	s11 =	sshrl.u32 s18, $0x3;
	s5 =	sor.u32 $0x1C01, s5;
	s12 =	rddreg [dreg:$0x7]  }
0xd4: {  	[hbm:s12], [sflag:s5] =	dma.local [spmem:s11], $0x500  }
0xd5: {  	s13 =	sshrl.u32 s19, $0x3;
	s12 =	rddreg [dreg:$0x8]  }
0xd6: {  	[hbm:s12], [sflag:s5] =	dma.local [spmem:s13], $0x500  }
0xd7: {  	s14 =	sshrl.u32 s20, $0x3;
	s12 =	rddreg [dreg:$0x9]  }
0xd8: {  	[hbm:s12], [sflag:s5] =	dma.local [spmem:s14], $0x500  }
0xd9: {  	s13 =	sshrl.u32 s21, $0x3;
	s12 =	rddreg [dreg:$0xa]  }
0xda: {  	[hbm:s12], [sflag:s5] =	dma.local [spmem:s13], $0x500  }
0xdb: {  	s14 =	sshrl.u32 s22, $0x3;
	s12 =	rddreg [dreg:$0xb]  }
0xdc: {  	[hbm:s12], [sflag:s5] =	dma.local [spmem:s14], $0x500  }
0xdd: {  	s13 =	sshrl.u32 s23, $0x3;
	s12 =	rddreg [dreg:$0xc]  }
0xde: {  	[hbm:s12], [sflag:s5] =	dma.local [spmem:s13], $0x500  }
0xdf: {  	s14 =	sshrl.u32 s24, $0x3;
	s12 =	rddreg [dreg:$0xd]  }
0xe0: {  	[hbm:s12], [sflag:s5] =	dma.local [spmem:s14], $0x500  }
0xe1: {  	s11 =	sshrl.u32 @!p0 s25, $0x3;
	s12 =	rddreg [dreg:$0xe]  }
0xe2: {  	[hbm:s12], [sflag:s5] =	dma.local @!p0 [spmem:s11], $0x500  }
0xe3: {  	_ =	swait.ge [sflag:s7], $0x500  }
0xe4: {  	[sflag:s7] =	ssyncset.done $0x0  }
0xe5: {  	[sflag:s7] =	ssyncadd.s32 $0xFFFFFB00  }
0xe6: {  	_ =	swait.ge [sflag:s7], $0x500  }
0xe7: {  	[sflag:s7] =	ssyncset.done $0x0  }
0xe8: {  	[sflag:s7] =	ssyncadd.s32 $0xFFFFFB00  }
0xe9: {  	_ =	swait.ge [sflag:s7], $0x500  }
0xea: {  	[sflag:s7] =	ssyncset.done $0x0  }
0xeb: {  	[sflag:s7] =	ssyncadd.s32 $0xFFFFFB00  }
0xec: {  	_ =	swait.ge [sflag:s7], $0x500  }
0xed: {  	[sflag:s7] =	ssyncset.done $0x0  }
0xee: {  	[sflag:s7] =	ssyncadd.s32 $0xFFFFFB00  }
0xef: {  	_ =	swait.ge [sflag:s7], $0x500  }
0xf0: {  	[sflag:s7] =	ssyncset.done $0x0  }
0xf1: {  	[sflag:s7] =	ssyncadd.s32 $0xFFFFFB00  }
0xf2: {  	_ =	swait.ge [sflag:s7], $0x500  }
0xf3: {  	[sflag:s7] =	ssyncset.done $0x0  }
0xf4: {  	s10 =	sadd.s32 $0x1, s10;
	[sflag:s7] =	ssyncadd.s32 $0xFFFFFB00  }
0xf5: {  	p2 =	sne.s32 s10, s17;
	_ =	swait.ge [sflag:s7], $0x500  }
.Ltmp3:
0xf6: {  	[sflag:s7] =	ssyncset.done $0x0;
	(pc) =	sbr.rel @p2 .LBB2_1-.Ltmp3, $4  }
0xf7: {  	s5 =	simm.s32 @!p1 $0x1;
	[sflag:s7] =	ssyncadd.s32 $0xFFFFFB00  }
0xf8: {  	_ =	swait.ge @!p1 [sflag:s5], $0x500  }
0xf9: {  	[sflag:s5] =	ssyncset.done @!p1 $0x0  }
0xfa: {  	[sflag:s5] =	ssyncadd.s32 @!p1 $0xFFFFFB00  }
0xfb: {  	_ =	sfence.sel $0x180000  }
0xfc: {  	[bflag:$0x0] =	sbarrier.arrive $0xFFFF  }
0xfd: {  	_ =	strace $0x90000047  }
0xfe: {  	s0 =	stileid.u32;
	[bflag:$0x2] =	sbarrier.arrive $0xFFFF  }
0xff: {  	p0 =	sne.s32 s0, $0x0;
	s0 =	rddreg [dreg:$0x4]  }
0x100: {  	s0 =	sadd.s32 @!p0 $0x100000, s0  }
0x101: {  	[sflag:s0] =	ssyncadd.tile.s32 @!p0 $0x1;
	_ =	shalt  }
.Lfunc_end2:
_tile_overlayer_lowered:
.L_overlay_start_2:
0x102: {  	(tag) =	ssettag $0x2  }
0x103: {  	s0 =	rddreg [dreg:$0x0];
	s2 =	stileid.u32  }
0x104: {  	s1 =	rddreg [dreg:$0x1];
	p0 =	sne.s32 s2, $0x0  }
0x105: {  	s3 =	rddreg [dreg:$0x2];
	[bflag:$0x3] =	sbarrier.arrive $0xFFFF;
	s2 =	simm.s32 @!p0 $0x1C04  }
0x106: {  	[timem:s3], [sflag:s2] =	dma.local @!p0 [hbm:s0], s1  }
0x107: {  	s0 =	simm.s32 @!p0 $0x4  }
0x108: {  	_ =	swait.ge @!p0 [sflag:s0], s1  }
0x109: {  	s1 =	ssub.s32 @!p0 $0x0, s1;
	[sflag:s0] =	ssyncset.done @!p0 $0x0  }
0x10a: {  	[sflag:s0] =	ssyncadd.s32 @!p0 s1  }
0x10b: {  	[bflag:$0x3] =	sbarrier.arrive $0xFFFF  }
0x10c: {  	_ =	shalt  }

</sc_bundles>
